<compile_context>
chip_gen: v7x
topology: tpu7x:2x2x1
jax: 0.10.2.dev20260603
libtpu: 0.0.44.dev20260713+nightly
codegen_flags: <defaults>
</compile_context>

<pallas_src>
import functools

import jax
import jax.numpy as jnp
from jax import lax
from jax.experimental import pallas as pl
from jax.experimental.pallas import tpu as pltpu
from jax.experimental.pallas import tpu_sc as plsc

BATCH = 16384
NUM_VERBS = 117
NUM_HOIS = 600

NC = 2
NS = 16
NW = NC * NS
COLS_PER_TILE = BATCH // NW
CCHUNK = 128
NCHUNK = COLS_PER_TILE // CCHUNK
ROWS_H0 = 304
NPARTS = 2

_mesh = plsc.VectorSubcoreMesh(
    core_axis_name="c", subcore_axis_name="s", num_cores=NC, num_subcores=NS
)


@functools.partial(
    pl.kernel,
    out_type=jax.ShapeDtypeStruct((NUM_HOIS, BATCH), jnp.float32),
    mesh=_mesh,
    scratch_types=[
        pltpu.VMEM((NUM_HOIS + 16,), jnp.int32),
        pltpu.VMEM((NUM_VERBS, CCHUNK), jnp.float32),
        pltpu.VMEM((NUM_VERBS, CCHUNK), jnp.float32),
        pltpu.VMEM((ROWS_H0, CCHUNK), jnp.float32),
        pltpu.VMEM((ROWS_H0, CCHUNK), jnp.float32),
        pltpu.SemaphoreType.DMA,
        pltpu.SemaphoreType.DMA,
        pltpu.SemaphoreType.DMA,
        pltpu.SemaphoreType.DMA,
        pltpu.SemaphoreType.DMA,
    ],
    compiler_params=pltpu.CompilerParams(
        needs_layout_passes=False, skip_device_barrier=True
    ),
)
def _scatter_verbs_kernel(
    vt_hbm, idx_hbm, out_hbm, idx_v, in0, in1, ob0, ob1, sx, si0, si1, so0, so1
):
    wid = lax.axis_index("s") * NC + lax.axis_index("c")
    base_col = wid * COLS_PER_TILE

    in_bufs, sin = [in0, in1], [si0, si1]
    obufs, sout = [ob0, ob1], [so0, so1]
    halves = [(0, ROWS_H0), (ROWS_H0, NUM_HOIS - ROWS_H0)]

    def start_in(c):
        col0 = base_col + c * CCHUNK
        return pltpu.async_copy(
            vt_hbm.at[:, pl.ds(col0, CCHUNK)], in_bufs[c & 1], sin[c & 1]
        )

    hidx = pltpu.async_copy(idx_hbm, idx_v.at[pl.ds(0, NUM_HOIS)], sx)
    hin = {0: start_in(0)}
    hpad = pltpu.async_copy(
        idx_hbm.at[pl.ds(0, 16)], idx_v.at[pl.ds(NUM_HOIS, 16)], sx
    )
    hidx.wait()
    hpad.wait()

    def compute_half(in_v, p):
        h0, nh = halves[p]
        out_v = obufs[p]

        @plsc.parallel_loop(0, nh, step=1, unroll=2)
        def row_body(r):
            v = idx_v[pl.ds(h0 + r, 16)][0]
            for k in range(CCHUNK // 16):
                out_v[r, pl.ds(16 * k, 16)] = in_v[v, pl.ds(16 * k, 16)]

    def start_out(c, p):
        col0 = base_col + c * CCHUNK
        h0, nh = halves[p]
        return pltpu.async_copy(
            obufs[p].at[pl.ds(0, nh)],
            out_hbm.at[pl.ds(h0, nh), pl.ds(col0, CCHUNK)],
            sout[p],
        )

    hout = {}
    for c in range(NCHUNK):
        if c + 1 < NCHUNK:
            hin[c + 1] = start_in(c + 1)
        hin[c].wait()
        for p in range(NPARTS):
            if c > 0:
                hout[(c - 1, p)].wait()
            compute_half(in_bufs[c & 1], p)
            hout[(c, p)] = start_out(c, p)
    for p in range(NPARTS):
        hout[(NCHUNK - 1, p)].wait()


def kernel(verb_scores, hoi_verb_map):
    hmap = hoi_verb_map.astype(jnp.int32)
    out_t = _scatter_verbs_kernel(verb_scores.T, hmap)
    return out_t.T

# --- scband reference (transcript-rebuilt; emitter-appended) ---
"""Pipeline reference for scband-scatter-verbs-to-hois-600-18408229831252 (READ-ONLY COPY).

The authoritative reference and input builder live on the scoring server;
editing this copy changes nothing except your own understanding.
"""

import jax, jax.numpy as jnp
import numpy as np

BATCH = 16384
NUM_VERBS = 117
NUM_HOIS = 600

def setup_inputs(seed: int = 0) -> dict:
    key = jax.random.key(seed)
    k1, k2 = jax.random.split(key)
    verb_scores = jax.random.normal(k1, (BATCH, NUM_VERBS), dtype=jnp.float32)
    # Static verb-id for each of the 600 HOI classes (stand-in for the JSON hoi_list mapping).
    hoi_verb_map = jax.random.randint(k2, (NUM_HOIS,), 0, NUM_VERBS, dtype=jnp.int64)
    return {"verb_scores": verb_scores, "hoi_verb_map": hoi_verb_map}

def reference(verb_scores, hoi_verb_map):
    # Original loop writes hoi_scores[:, hoi_idx] = verb_scores[:, verb_idx] for every hoi.
    # Since every hoi column is assigned exactly once, this is a column gather:
    hoi_scores = jnp.take(verb_scores, hoi_verb_map, axis=1)
    return hoi_scores

if __name__ == "__main__":
    import jax
    _d = setup_inputs()
    print(jax.jit(kernel)(*tuple(_d.values())))

</pallas_src>

<mosaic_0001>
#map = affine_map<(d0, d1) -> (0, 0)>
#map1 = affine_map<(d0, d1) -> (0)>
module attributes {stable_mosaic.version = 14 : i64} {
  func.func @_scatter_verbs_kernel(%arg0: i32, %arg1: i32, %arg2: memref<117x16384xf32, #tpu.memory_space<hbm>>, %arg3: memref<600xi32, #tpu.memory_space<hbm>>, %arg4: memref<600x16384xf32, #tpu.memory_space<hbm>>, %arg5: memref<616xi32, #tpu.memory_space<vmem>>, %arg6: memref<117x128xf32, #tpu.memory_space<vmem>>, %arg7: memref<117x128xf32, #tpu.memory_space<vmem>>, %arg8: memref<304x128xf32, #tpu.memory_space<vmem>>, %arg9: memref<304x128xf32, #tpu.memory_space<vmem>>, %arg10: memref<!tpu.dma_semaphore, #tpu.memory_space<semaphore_mem>>, %arg11: memref<!tpu.dma_semaphore, #tpu.memory_space<semaphore_mem>>, %arg12: memref<!tpu.dma_semaphore, #tpu.memory_space<semaphore_mem>>, %arg13: memref<!tpu.dma_semaphore, #tpu.memory_space<semaphore_mem>>, %arg14: memref<!tpu.dma_semaphore, #tpu.memory_space<semaphore_mem>>) attributes {dimension_semantics = [#tpu.dimension_semantics<core_parallel>, #tpu.dimension_semantics<subcore_parallel>], iteration_bounds = array<i64: 2, 16>, scalar_prefetch = 0 : i64, scratch_operands = 10 : i64, tpu.core_type = #tpu.core_type<sc_vector_subcore>, window_params = [{transform_indices = #map}, {transform_indices = #map1}, {transform_indices = #map}]} {
    %mul3A = arith.constant 2 : i32
    %mul3A_0 = arith.muli %arg1, %mul3A : i32
    %add3A = arith.addi %mul3A_0, %arg0 : i32
    %mul3A_1 = arith.constant 512 : i32
    %mul3A_2 = arith.muli %add3A, %mul3A_1 : i32
    %dma_start3A = arith.constant 0 : i32
    %dma_start3A_3 = tpu.memref_slice %arg5[%dma_start3A] : memref<616xi32, #tpu.memory_space<vmem>> -> memref<600xi32, #tpu.memory_space<vmem>>
    %dma_start3A_4 = arith.constant 0 : i32
    %dma_start3A_5 = tpu.memref_slice %arg5[%dma_start3A_4] : memref<616xi32, #tpu.memory_space<vmem>> -> memref<600xi32, #tpu.memory_space<vmem>>
    tpu.enqueue_dma source(%arg3 : memref<600xi32, #tpu.memory_space<hbm>>) target(%dma_start3A_5 : memref<600xi32, #tpu.memory_space<vmem>>) target_semaphore(%arg10 : memref<!tpu.dma_semaphore, #tpu.memory_space<semaphore_mem>>)
    %add3A_6 = arith.constant 0 : i32
    %add3A_7 = arith.addi %mul3A_2, %add3A_6 : i32
    %dma_start3A_8 = arith.constant 0 : i32
    %dma_start3A_9 = tpu.memref_slice %arg2[%dma_start3A_8, %add3A_7] : memref<117x16384xf32, #tpu.memory_space<hbm>> -> memref<117x128xf32, #tpu.memory_space<hbm>>
    %dma_start3A_10 = arith.constant 0 : i32
    %dma_start3A_11 = tpu.memref_slice %arg2[%dma_start3A_10, %add3A_7] : memref<117x16384xf32, #tpu.memory_space<hbm>> -> memref<117x128xf32, #tpu.memory_space<hbm>>
    tpu.enqueue_dma source(%dma_start3A_11 : memref<117x128xf32, #tpu.memory_space<hbm>>) target(%arg6 : memref<117x128xf32, #tpu.memory_space<vmem>>) target_semaphore(%arg11 : memref<!tpu.dma_semaphore, #tpu.memory_space<semaphore_mem>>)
    %dma_start3A_12 = arith.constant 600 : i32
    %dma_start3A_13 = tpu.memref_slice %arg5[%dma_start3A_12] : memref<616xi32, #tpu.memory_space<vmem>> -> memref<16xi32, #tpu.memory_space<vmem>>
    %dma_start3A_14 = arith.constant 0 : i32
    %dma_start3A_15 = tpu.memref_slice %arg3[%dma_start3A_14] : memref<600xi32, #tpu.memory_space<hbm>> -> memref<16xi32, #tpu.memory_space<hbm>>
    %dma_start3A_16 = arith.constant 600 : i32
    %dma_start3A_17 = tpu.memref_slice %arg5[%dma_start3A_16] : memref<616xi32, #tpu.memory_space<vmem>> -> memref<16xi32, #tpu.memory_space<vmem>>
    %dma_start3A_18 = arith.constant 0 : i32
    %dma_start3A_19 = tpu.memref_slice %arg3[%dma_start3A_18] : memref<600xi32, #tpu.memory_space<hbm>> -> memref<16xi32, #tpu.memory_space<hbm>>
    tpu.enqueue_dma source(%dma_start3A_19 : memref<16xi32, #tpu.memory_space<hbm>>) target(%dma_start3A_17 : memref<16xi32, #tpu.memory_space<vmem>>) target_semaphore(%arg10 : memref<!tpu.dma_semaphore, #tpu.memory_space<semaphore_mem>>)
    %dma_wait3A = arith.constant 0 : i32
    %dma_wait3A_20 = tpu.memref_slice %arg5[%dma_wait3A] : memref<616xi32, #tpu.memory_space<vmem>> -> memref<600xi32, #tpu.memory_space<vmem>>
    %dma_wait3A_21 = arith.constant 0 : i32
    %dma_wait3A_22 = tpu.memref_slice %arg5[%dma_wait3A_21] : memref<616xi32, #tpu.memory_space<vmem>> -> memref<600xi32, #tpu.memory_space<vmem>>
    tpu.wait_dma2 semaphore(%arg10 : memref<!tpu.dma_semaphore, #tpu.memory_space<semaphore_mem>>) src(%arg3 : memref<600xi32, #tpu.memory_space<hbm>>) dst(%dma_wait3A_22 : memref<600xi32, #tpu.memory_space<vmem>>)
    %dma_wait3A_23 = arith.constant 600 : i32
    %dma_wait3A_24 = tpu.memref_slice %arg5[%dma_wait3A_23] : memref<616xi32, #tpu.memory_space<vmem>> -> memref<16xi32, #tpu.memory_space<vmem>>
    %dma_wait3A_25 = arith.constant 0 : i32
    %dma_wait3A_26 = tpu.memref_slice %arg3[%dma_wait3A_25] : memref<600xi32, #tpu.memory_space<hbm>> -> memref<16xi32, #tpu.memory_space<hbm>>
    %dma_wait3A_27 = arith.constant 600 : i32
    %dma_wait3A_28 = tpu.memref_slice %arg5[%dma_wait3A_27] : memref<616xi32, #tpu.memory_space<vmem>> -> memref<16xi32, #tpu.memory_space<vmem>>
    %dma_wait3A_29 = arith.constant 0 : i32
    %dma_wait3A_30 = tpu.memref_slice %arg3[%dma_wait3A_29] : memref<600xi32, #tpu.memory_space<hbm>> -> memref<16xi32, #tpu.memory_space<hbm>>
    tpu.wait_dma2 semaphore(%arg10 : memref<!tpu.dma_semaphore, #tpu.memory_space<semaphore_mem>>) src(%dma_wait3A_30 : memref<16xi32, #tpu.memory_space<hbm>>) dst(%dma_wait3A_28 : memref<16xi32, #tpu.memory_space<vmem>>)
    %add3A_31 = arith.constant 128 : i32
    %add3A_32 = arith.addi %mul3A_2, %add3A_31 : i32
    %dma_start3A_33 = arith.constant 0 : i32
    %dma_start3A_34 = tpu.memref_slice %arg2[%dma_start3A_33, %add3A_32] : memref<117x16384xf32, #tpu.memory_space<hbm>> -> memref<117x128xf32, #tpu.memory_space<hbm>>
    %dma_start3A_35 = arith.constant 0 : i32
    %dma_start3A_36 = tpu.memref_slice %arg2[%dma_start3A_35, %add3A_32] : memref<117x16384xf32, #tpu.memory_space<hbm>> -> memref<117x128xf32, #tpu.memory_space<hbm>>
    tpu.enqueue_dma source(%dma_start3A_36 : memref<117x128xf32, #tpu.memory_space<hbm>>) target(%arg7 : memref<117x128xf32, #tpu.memory_space<vmem>>) target_semaphore(%arg12 : memref<!tpu.dma_semaphore, #tpu.memory_space<semaphore_mem>>)
    %dma_wait3A_37 = arith.constant 0 : i32
    %dma_wait3A_38 = tpu.memref_slice %arg2[%dma_wait3A_37, %add3A_7] : memref<117x16384xf32, #tpu.memory_space<hbm>> -> memref<117x128xf32, #tpu.memory_space<hbm>>
    %dma_wait3A_39 = arith.constant 0 : i32
    %dma_wait3A_40 = tpu.memref_slice %arg2[%dma_wait3A_39, %add3A_7] : memref<117x16384xf32, #tpu.memory_space<hbm>> -> memref<117x128xf32, #tpu.memory_space<hbm>>
    tpu.wait_dma2 semaphore(%arg11 : memref<!tpu.dma_semaphore, #tpu.memory_space<semaphore_mem>>) src(%dma_wait3A_40 : memref<117x128xf32, #tpu.memory_space<hbm>>) dst(%arg6 : memref<117x128xf32, #tpu.memory_space<vmem>>)
    %parallel_loop3A = arith.constant 0 : i32
    %parallel_loop3A_41 = arith.constant 304 : i32
    %parallel_loop3A_42 = arith.constant 1 : i32
    scf.for %parallel_loop3A_264 = %parallel_loop3A to %parallel_loop3A_41 step %parallel_loop3A_42  : i32 {
      %parallel_loop3A_265 = arith.constant 0 : i32
      %parallel_loop3A_266 = arith.addi %parallel_loop3A_265, %parallel_loop3A_264 : i32
      %parallel_loop3A_267 = arith.index_cast %parallel_loop3A_266 : i32 to index
      %parallel_loop3A_268 = tpu.vector_load %arg5[%parallel_loop3A_267] {strides = array<i32>} : memref<616xi32, #tpu.memory_space<vmem>>, vector<16xi32>,
      %parallel_loop3A_269 = vector.extract_strided_slice %parallel_loop3A_268 {offsets = [0], sizes = [1], strides = [1]} : vector<16xi32> to vector<1xi32>
      %parallel_loop3A_270 = vector.extract %parallel_loop3A_269[0] : i32 from vector<1xi32>
      %parallel_loop3A_271 = arith.index_cast %parallel_loop3A_270 : i32 to index
      %parallel_loop3A_272 = arith.constant 0 : index
      %parallel_loop3A_273 = tpu.vector_load %arg6[%parallel_loop3A_271, %parallel_loop3A_272] {strides = array<i32>} : memref<117x128xf32, #tpu.memory_space<vmem>>, vector<16xf32>,
      %parallel_loop3A_274 = arith.index_cast %parallel_loop3A_264 : i32 to index
      %parallel_loop3A_275 = arith.constant 0 : index
      %parallel_loop3A_276 = tpu.vector_load %arg8[%parallel_loop3A_274, %parallel_loop3A_275] {strides = array<i32>} : memref<304x128xf32, #tpu.memory_space<vmem>>, vector<16xf32>,
      tpu.vector_store %arg8[%parallel_loop3A_274, %parallel_loop3A_275], %parallel_loop3A_273 {strides = array<i32>} : memref<304x128xf32, #tpu.memory_space<vmem>>, vector<16xf32>,
      %parallel_loop3A_277 = arith.index_cast %parallel_loop3A_270 : i32 to index
      %parallel_loop3A_278 = arith.constant 16 : index
      %parallel_loop3A_279 = tpu.vector_load %arg6[%parallel_loop3A_277, %parallel_loop3A_278] {strides = array<i32>} : memref<117x128xf32, #tpu.memory_space<vmem>>, vector<16xf32>,
      %parallel_loop3A_280 = arith.index_cast %parallel_loop3A_264 : i32 to index
      %parallel_loop3A_281 = arith.constant 16 : index
      %parallel_loop3A_282 = tpu.vector_load %arg8[%parallel_loop3A_280, %parallel_loop3A_281] {strides = array<i32>} : memref<304x128xf32, #tpu.memory_space<vmem>>, vector<16xf32>,
      tpu.vector_store %arg8[%parallel_loop3A_280, %parallel_loop3A_281], %parallel_loop3A_279 {strides = array<i32>} : memref<304x128xf32, #tpu.memory_space<vmem>>, vector<16xf32>,
      %parallel_loop3A_283 = arith.index_cast %parallel_loop3A_270 : i32 to index
      %parallel_loop3A_284 = arith.constant 32 : index
      %parallel_loop3A_285 = tpu.vector_load %arg6[%parallel_loop3A_283, %parallel_loop3A_284] {strides = array<i32>} : memref<117x128xf32, #tpu.memory_space<vmem>>, vector<16xf32>,
      %parallel_loop3A_286 = arith.index_cast %parallel_loop3A_264 : i32 to index
      %parallel_loop3A_287 = arith.constant 32 : index
      %parallel_loop3A_288 = tpu.vector_load %arg8[%parallel_loop3A_286, %parallel_loop3A_287] {strides = array<i32>} : memref<304x128xf32, #tpu.memory_space<vmem>>, vector<16xf32>,
      tpu.vector_store %arg8[%parallel_loop3A_286, %parallel_loop3A_287], %parallel_loop3A_285 {strides = array<i32>} : memref<304x128xf32, #tpu.memory_space<vmem>>, vector<16xf32>,
      %parallel_loop3A_289 = arith.index_cast %parallel_loop3A_270 : i32 to index
      %parallel_loop3A_290 = arith.constant 48 : index
      %parallel_loop3A_291 = tpu.vector_load %arg6[%parallel_loop3A_289, %parallel_loop3A_290] {strides = array<i32>} : memref<117x128xf32, #tpu.memory_space<vmem>>, vector<16xf32>,
      %parallel_loop3A_292 = arith.index_cast %parallel_loop3A_264 : i32 to index
      %parallel_loop3A_293 = arith.constant 48 : index
      %parallel_loop3A_294 = tpu.vector_load %arg8[%parallel_loop3A_292, %parallel_loop3A_293] {strides = array<i32>} : memref<304x128xf32, #tpu.memory_space<vmem>>, vector<16xf32>,
      tpu.vector_store %arg8[%parallel_loop3A_292, %parallel_loop3A_293], %parallel_loop3A_291 {strides = array<i32>} : memref<304x128xf32, #tpu.memory_space<vmem>>, vector<16xf32>,
      %parallel_loop3A_295 = arith.index_cast %parallel_loop3A_270 : i32 to index
      %parallel_loop3A_296 = arith.constant 64 : index
      %parallel_loop3A_297 = tpu.vector_load %arg6[%parallel_loop3A_295, %parallel_loop3A_296] {strides = array<i32>} : memref<117x128xf32, #tpu.memory_space<vmem>>, vector<16xf32>,
      %parallel_loop3A_298 = arith.index_cast %parallel_loop3A_264 : i32 to index
      %parallel_loop3A_299 = arith.constant 64 : index
      %parallel_loop3A_300 = tpu.vector_load %arg8[%parallel_loop3A_298, %parallel_loop3A_299] {strides = array<i32>} : memref<304x128xf32, #tpu.memory_space<vmem>>, vector<16xf32>,
      tpu.vector_store %arg8[%parallel_loop3A_298, %parallel_loop3A_299], %parallel_loop3A_297 {strides = array<i32>} : memref<304x128xf32, #tpu.memory_space<vmem>>, vector<16xf32>,
      %parallel_loop3A_301 = arith.index_cast %parallel_loop3A_270 : i32 to index
      %parallel_loop3A_302 = arith.constant 80 : index
      %parallel_loop3A_303 = tpu.vector_load %arg6[%parallel_loop3A_301, %parallel_loop3A_302] {strides = array<i32>} : memref<117x128xf32, #tpu.memory_space<vmem>>, vector<16xf32>,
      %parallel_loop3A_304 = arith.index_cast %parallel_loop3A_264 : i32 to index
      %parallel_loop3A_305 = arith.constant 80 : index
      %parallel_loop3A_306 = tpu.vector_load %arg8[%parallel_loop3A_304, %parallel_loop3A_305] {strides = array<i32>} : memref<304x128xf32, #tpu.memory_space<vmem>>, vector<16xf32>,
      tpu.vector_store %arg8[%parallel_loop3A_304, %parallel_loop3A_305], %parallel_loop3A_303 {strides = array<i32>} : memref<304x128xf32, #tpu.memory_space<vmem>>, vector<16xf32>,
      %parallel_loop3A_307 = arith.index_cast %parallel_loop3A_270 : i32 to index
      %parallel_loop3A_308 = arith.constant 96 : index
      %parallel_loop3A_309 = tpu.vector_load %arg6[%parallel_loop3A_307, %parallel_loop3A_308] {strides = array<i32>} : memref<117x128xf32, #tpu.memory_space<vmem>>, vector<16xf32>,
      %parallel_loop3A_310 = arith.index_cast %parallel_loop3A_264 : i32 to index
      %parallel_loop3A_311 = arith.constant 96 : index
      %parallel_loop3A_312 = tpu.vector_load %arg8[%parallel_loop3A_310, %parallel_loop3A_311] {strides = array<i32>} : memref<304x128xf32, #tpu.memory_space<vmem>>, vector<16xf32>,
      tpu.vector_store %arg8[%parallel_loop3A_310, %parallel_loop3A_311], %parallel_loop3A_309 {strides = array<i32>} : memref<304x128xf32, #tpu.memory_space<vmem>>, vector<16xf32>,
      %parallel_loop3A_313 = arith.index_cast %parallel_loop3A_270 : i32 to index
      %parallel_loop3A_314 = arith.constant 112 : index
      %parallel_loop3A_315 = tpu.vector_load %arg6[%parallel_loop3A_313, %parallel_loop3A_314] {strides = array<i32>} : memref<117x128xf32, #tpu.memory_space<vmem>>, vector<16xf32>,
      %parallel_loop3A_316 = arith.index_cast %parallel_loop3A_264 : i32 to index
      %parallel_loop3A_317 = arith.constant 112 : index
      %parallel_loop3A_318 = tpu.vector_load %arg8[%parallel_loop3A_316, %parallel_loop3A_317] {strides = array<i32>} : memref<304x128xf32, #tpu.memory_space<vmem>>, vector<16xf32>,
      tpu.vector_store %arg8[%parallel_loop3A_316, %parallel_loop3A_317], %parallel_loop3A_315 {strides = array<i32>} : memref<304x128xf32, #tpu.memory_space<vmem>>, vector<16xf32>,
    } {sc.loop_unroll_factor = 2 : i64, sc.parallel_access}
    %add3A_43 = arith.constant 0 : i32
    %add3A_44 = arith.addi %mul3A_2, %add3A_43 : i32
    %dma_start3A_45 = arith.constant 0 : i32
    %dma_start3A_46 = arith.constant 0 : i32
    %dma_start3A_47 = tpu.memref_slice %arg8[%dma_start3A_45, %dma_start3A_46] : memref<304x128xf32, #tpu.memory_space<vmem>> -> memref<304x128xf32, #tpu.memory_space<vmem>>
    %dma_start3A_48 = arith.constant 0 : i32
    %dma_start3A_49 = tpu.memref_slice %arg4[%dma_start3A_48, %add3A_44] : memref<600x16384xf32, #tpu.memory_space<hbm>> -> memref<304x128xf32, #tpu.memory_space<hbm>>
    %dma_start3A_50 = arith.constant 0 : i32
    %dma_start3A_51 = tpu.memref_slice %arg4[%dma_start3A_50, %add3A_44] : memref<600x16384xf32, #tpu.memory_space<hbm>> -> memref<304x128xf32, #tpu.memory_space<hbm>>
    %dma_start3A_52 = arith.constant 0 : i32
    %dma_start3A_53 = arith.constant 0 : i32
    %dma_start3A_54 = tpu.memref_slice %arg8[%dma_start3A_52, %dma_start3A_53] : memref<304x128xf32, #tpu.memory_space<vmem>> -> memref<304x128xf32, #tpu.memory_space<vmem>>
    tpu.enqueue_dma source(%dma_start3A_54 : memref<304x128xf32, #tpu.memory_space<vmem>>) target(%dma_start3A_51 : memref<304x128xf32, #tpu.memory_space<hbm>>) target_semaphore(%arg13 : memref<!tpu.dma_semaphore, #tpu.memory_space<semaphore_mem>>)
    %parallel_loop3A_55 = arith.constant 0 : i32
    %parallel_loop3A_56 = arith.constant 296 : i32
    %parallel_loop3A_57 = arith.constant 1 : i32
    scf.for %parallel_loop3A_264 = %parallel_loop3A_55 to %parallel_loop3A_56 step %parallel_loop3A_57  : i32 {
      %parallel_loop3A_265 = arith.constant 304 : i32
      %parallel_loop3A_266 = arith.addi %parallel_loop3A_265, %parallel_loop3A_264 : i32
      %parallel_loop3A_267 = arith.index_cast %parallel_loop3A_266 : i32 to index
      %parallel_loop3A_268 = tpu.vector_load %arg5[%parallel_loop3A_267] {strides = array<i32>} : memref<616xi32, #tpu.memory_space<vmem>>, vector<16xi32>,
      %parallel_loop3A_269 = vector.extract_strided_slice %parallel_loop3A_268 {offsets = [0], sizes = [1], strides = [1]} : vector<16xi32> to vector<1xi32>
      %parallel_loop3A_270 = vector.extract %parallel_loop3A_269[0] : i32 from vector<1xi32>
      %parallel_loop3A_271 = arith.index_cast %parallel_loop3A_270 : i32 to index
      %parallel_loop3A_272 = arith.constant 0 : index
      %parallel_loop3A_273 = tpu.vector_load %arg6[%parallel_loop3A_271, %parallel_loop3A_272] {strides = array<i32>} : memref<117x128xf32, #tpu.memory_space<vmem>>, vector<16xf32>,
      %parallel_loop3A_274 = arith.index_cast %parallel_loop3A_264 : i32 to index
      %parallel_loop3A_275 = arith.constant 0 : index
      %parallel_loop3A_276 = tpu.vector_load %arg9[%parallel_loop3A_274, %parallel_loop3A_275] {strides = array<i32>} : memref<304x128xf32, #tpu.memory_space<vmem>>, vector<16xf32>,
      tpu.vector_store %arg9[%parallel_loop3A_274, %parallel_loop3A_275], %parallel_loop3A_273 {strides = array<i32>} : memref<304x128xf32, #tpu.memory_space<vmem>>, vector<16xf32>,
      %parallel_loop3A_277 = arith.index_cast %parallel_loop3A_270 : i32 to index
      %parallel_loop3A_278 = arith.constant 16 : index
      %parallel_loop3A_279 = tpu.vector_load %arg6[%parallel_loop3A_277, %parallel_loop3A_278] {strides = array<i32>} : memref<117x128xf32, #tpu.memory_space<vmem>>, vector<16xf32>,
      %parallel_loop3A_280 = arith.index_cast %parallel_loop3A_264 : i32 to index
      %parallel_loop3A_281 = arith.constant 16 : index
      %parallel_loop3A_282 = tpu.vector_load %arg9[%parallel_loop3A_280, %parallel_loop3A_281] {strides = array<i32>} : memref<304x128xf32, #tpu.memory_space<vmem>>, vector<16xf32>,
      tpu.vector_store %arg9[%parallel_loop3A_280, %parallel_loop3A_281], %parallel_loop3A_279 {strides = array<i32>} : memref<304x128xf32, #tpu.memory_space<vmem>>, vector<16xf32>,
      %parallel_loop3A_283 = arith.index_cast %parallel_loop3A_270 : i32 to index
      %parallel_loop3A_284 = arith.constant 32 : index
      %parallel_loop3A_285 = tpu.vector_load %arg6[%parallel_loop3A_283, %parallel_loop3A_284] {strides = array<i32>} : memref<117x128xf32, #tpu.memory_space<vmem>>, vector<16xf32>,
      %parallel_loop3A_286 = arith.index_cast %parallel_loop3A_264 : i32 to index
      %parallel_loop3A_287 = arith.constant 32 : index
      %parallel_loop3A_288 = tpu.vector_load %arg9[%parallel_loop3A_286, %parallel_loop3A_287] {strides = array<i32>} : memref<304x128xf32, #tpu.memory_space<vmem>>, vector<16xf32>,
      tpu.vector_store %arg9[%parallel_loop3A_286, %parallel_loop3A_287], %parallel_loop3A_285 {strides = array<i32>} : memref<304x128xf32, #tpu.memory_space<vmem>>, vector<16xf32>,
      %parallel_loop3A_289 = arith.index_cast %parallel_loop3A_270 : i32 to index
      %parallel_loop3A_290 = arith.constant 48 : index
      %parallel_loop3A_291 = tpu.vector_load %arg6[%parallel_loop3A_289, %parallel_loop3A_290] {strides = array<i32>} : memref<117x128xf32, #tpu.memory_space<vmem>>, vector<16xf32>,
      %parallel_loop3A_292 = arith.index_cast %parallel_loop3A_264 : i32 to index
      %parallel_loop3A_293 = arith.constant 48 : index
      %parallel_loop3A_294 = tpu.vector_load %arg9[%parallel_loop3A_292, %parallel_loop3A_293] {strides = array<i32>} : memref<304x128xf32, #tpu.memory_space<vmem>>, vector<16xf32>,
      tpu.vector_store %arg9[%parallel_loop3A_292, %parallel_loop3A_293], %parallel_loop3A_291 {strides = array<i32>} : memref<304x128xf32, #tpu.memory_space<vmem>>, vector<16xf32>,
      %parallel_loop3A_295 = arith.index_cast %parallel_loop3A_270 : i32 to index
      %parallel_loop3A_296 = arith.constant 64 : index
      %parallel_loop3A_297 = tpu.vector_load %arg6[%parallel_loop3A_295, %parallel_loop3A_296] {strides = array<i32>} : memref<117x128xf32, #tpu.memory_space<vmem>>, vector<16xf32>,
      %parallel_loop3A_298 = arith.index_cast %parallel_loop3A_264 : i32 to index
      %parallel_loop3A_299 = arith.constant 64 : index
      %parallel_loop3A_300 = tpu.vector_load %arg9[%parallel_loop3A_298, %parallel_loop3A_299] {strides = array<i32>} : memref<304x128xf32, #tpu.memory_space<vmem>>, vector<16xf32>,
      tpu.vector_store %arg9[%parallel_loop3A_298, %parallel_loop3A_299], %parallel_loop3A_297 {strides = array<i32>} : memref<304x128xf32, #tpu.memory_space<vmem>>, vector<16xf32>,
      %parallel_loop3A_301 = arith.index_cast %parallel_loop3A_270 : i32 to index
      %parallel_loop3A_302 = arith.constant 80 : index
      %parallel_loop3A_303 = tpu.vector_load %arg6[%parallel_loop3A_301, %parallel_loop3A_302] {strides = array<i32>} : memref<117x128xf32, #tpu.memory_space<vmem>>, vector<16xf32>,
      %parallel_loop3A_304 = arith.index_cast %parallel_loop3A_264 : i32 to index
      %parallel_loop3A_305 = arith.constant 80 : index
      %parallel_loop3A_306 = tpu.vector_load %arg9[%parallel_loop3A_304, %parallel_loop3A_305] {strides = array<i32>} : memref<304x128xf32, #tpu.memory_space<vmem>>, vector<16xf32>,
      tpu.vector_store %arg9[%parallel_loop3A_304, %parallel_loop3A_305], %parallel_loop3A_303 {strides = array<i32>} : memref<304x128xf32, #tpu.memory_space<vmem>>, vector<16xf32>,
      %parallel_loop3A_307 = arith.index_cast %parallel_loop3A_270 : i32 to index
      %parallel_loop3A_308 = arith.constant 96 : index
      %parallel_loop3A_309 = tpu.vector_load %arg6[%parallel_loop3A_307, %parallel_loop3A_308] {strides = array<i32>} : memref<117x128xf32, #tpu.memory_space<vmem>>, vector<16xf32>,
      %parallel_loop3A_310 = arith.index_cast %parallel_loop3A_264 : i32 to index
      %parallel_loop3A_311 = arith.constant 96 : index
      %parallel_loop3A_312 = tpu.vector_load %arg9[%parallel_loop3A_310, %parallel_loop3A_311] {strides = array<i32>} : memref<304x128xf32, #tpu.memory_space<vmem>>, vector<16xf32>,
      tpu.vector_store %arg9[%parallel_loop3A_310, %parallel_loop3A_311], %parallel_loop3A_309 {strides = array<i32>} : memref<304x128xf32, #tpu.memory_space<vmem>>, vector<16xf32>,
      %parallel_loop3A_313 = arith.index_cast %parallel_loop3A_270 : i32 to index
      %parallel_loop3A_314 = arith.constant 112 : index
      %parallel_loop3A_315 = tpu.vector_load %arg6[%parallel_loop3A_313, %parallel_loop3A_314] {strides = array<i32>} : memref<117x128xf32, #tpu.memory_space<vmem>>, vector<16xf32>,
      %parallel_loop3A_316 = arith.index_cast %parallel_loop3A_264 : i32 to index
      %parallel_loop3A_317 = arith.constant 112 : index
      %parallel_loop3A_318 = tpu.vector_load %arg9[%parallel_loop3A_316, %parallel_loop3A_317] {strides = array<i32>} : memref<304x128xf32, #tpu.memory_space<vmem>>, vector<16xf32>,
      tpu.vector_store %arg9[%parallel_loop3A_316, %parallel_loop3A_317], %parallel_loop3A_315 {strides = array<i32>} : memref<304x128xf32, #tpu.memory_space<vmem>>, vector<16xf32>,
    } {sc.loop_unroll_factor = 2 : i64, sc.parallel_access}
    %add3A_58 = arith.constant 0 : i32
    %add3A_59 = arith.addi %mul3A_2, %add3A_58 : i32
    %dma_start3A_60 = arith.constant 0 : i32
    %dma_start3A_61 = arith.constant 0 : i32
    %dma_start3A_62 = tpu.memref_slice %arg9[%dma_start3A_60, %dma_start3A_61] : memref<304x128xf32, #tpu.memory_space<vmem>> -> memref<296x128xf32, #tpu.memory_space<vmem>>
    %dma_start3A_63 = arith.constant 304 : i32
    %dma_start3A_64 = tpu.memref_slice %arg4[%dma_start3A_63, %add3A_59] : memref<600x16384xf32, #tpu.memory_space<hbm>> -> memref<296x128xf32, #tpu.memory_space<hbm>>
    %dma_start3A_65 = arith.constant 304 : i32
    %dma_start3A_66 = tpu.memref_slice %arg4[%dma_start3A_65, %add3A_59] : memref<600x16384xf32, #tpu.memory_space<hbm>> -> memref<296x128xf32, #tpu.memory_space<hbm>>
    %dma_start3A_67 = arith.constant 0 : i32
    %dma_start3A_68 = arith.constant 0 : i32
    %dma_start3A_69 = tpu.memref_slice %arg9[%dma_start3A_67, %dma_start3A_68] : memref<304x128xf32, #tpu.memory_space<vmem>> -> memref<296x128xf32, #tpu.memory_space<vmem>>
    tpu.enqueue_dma source(%dma_start3A_69 : memref<296x128xf32, #tpu.memory_space<vmem>>) target(%dma_start3A_66 : memref<296x128xf32, #tpu.memory_space<hbm>>) target_semaphore(%arg14 : memref<!tpu.dma_semaphore, #tpu.memory_space<semaphore_mem>>)
    %add3A_70 = arith.constant 256 : i32
    %add3A_71 = arith.addi %mul3A_2, %add3A_70 : i32
    %dma_start3A_72 = arith.constant 0 : i32
    %dma_start3A_73 = tpu.memref_slice %arg2[%dma_start3A_72, %add3A_71] : memref<117x16384xf32, #tpu.memory_space<hbm>> -> memref<117x128xf32, #tpu.memory_space<hbm>>
    %dma_start3A_74 = arith.constant 0 : i32
    %dma_start3A_75 = tpu.memref_slice %arg2[%dma_start3A_74, %add3A_71] : memref<117x16384xf32, #tpu.memory_space<hbm>> -> memref<117x128xf32, #tpu.memory_space<hbm>>
    tpu.enqueue_dma source(%dma_start3A_75 : memref<117x128xf32, #tpu.memory_space<hbm>>) target(%arg6 : memref<117x128xf32, #tpu.memory_space<vmem>>) target_semaphore(%arg11 : memref<!tpu.dma_semaphore, #tpu.memory_space<semaphore_mem>>)
    %dma_wait3A_76 = arith.constant 0 : i32
    %dma_wait3A_77 = tpu.memref_slice %arg2[%dma_wait3A_76, %add3A_32] : memref<117x16384xf32, #tpu.memory_space<hbm>> -> memref<117x128xf32, #tpu.memory_space<hbm>>
    %dma_wait3A_78 = arith.constant 0 : i32
    %dma_wait3A_79 = tpu.memref_slice %arg2[%dma_wait3A_78, %add3A_32] : memref<117x16384xf32, #tpu.memory_space<hbm>> -> memref<117x128xf32, #tpu.memory_space<hbm>>
    tpu.wait_dma2 semaphore(%arg12 : memref<!tpu.dma_semaphore, #tpu.memory_space<semaphore_mem>>) src(%dma_wait3A_79 : memref<117x128xf32, #tpu.memory_space<hbm>>) dst(%arg7 : memref<117x128xf32, #tpu.memory_space<vmem>>)
    %dma_wait3A_80 = arith.constant 0 : i32
    %dma_wait3A_81 = arith.constant 0 : i32
    %dma_wait3A_82 = tpu.memref_slice %arg8[%dma_wait3A_80, %dma_wait3A_81] : memref<304x128xf32, #tpu.memory_space<vmem>> -> memref<304x128xf32, #tpu.memory_space<vmem>>
    %dma_wait3A_83 = arith.constant 0 : i32
    %dma_wait3A_84 = tpu.memref_slice %arg4[%dma_wait3A_83, %add3A_44] : memref<600x16384xf32, #tpu.memory_space<hbm>> -> memref<304x128xf32, #tpu.memory_space<hbm>>
    %dma_wait3A_85 = arith.constant 0 : i32
    %dma_wait3A_86 = tpu.memref_slice %arg4[%dma_wait3A_85, %add3A_44] : memref<600x16384xf32, #tpu.memory_space<hbm>> -> memref<304x128xf32, #tpu.memory_space<hbm>>
    %dma_wait3A_87 = arith.constant 0 : i32
    %dma_wait3A_88 = arith.constant 0 : i32
    %dma_wait3A_89 = tpu.memref_slice %arg8[%dma_wait3A_87, %dma_wait3A_88] : memref<304x128xf32, #tpu.memory_space<vmem>> -> memref<304x128xf32, #tpu.memory_space<vmem>>
    tpu.wait_dma2 semaphore(%arg13 : memref<!tpu.dma_semaphore, #tpu.memory_space<semaphore_mem>>) src(%dma_wait3A_89 : memref<304x128xf32, #tpu.memory_space<vmem>>) dst(%dma_wait3A_86 : memref<304x128xf32, #tpu.memory_space<hbm>>)
    %parallel_loop3A_90 = arith.constant 0 : i32
    %parallel_loop3A_91 = arith.constant 304 : i32
    %parallel_loop3A_92 = arith.constant 1 : i32
    scf.for %parallel_loop3A_264 = %parallel_loop3A_90 to %parallel_loop3A_91 step %parallel_loop3A_92  : i32 {
      %parallel_loop3A_265 = arith.constant 0 : i32
      %parallel_loop3A_266 = arith.addi %parallel_loop3A_265, %parallel_loop3A_264 : i32
      %parallel_loop3A_267 = arith.index_cast %parallel_loop3A_266 : i32 to index
      %parallel_loop3A_268 = tpu.vector_load %arg5[%parallel_loop3A_267] {strides = array<i32>} : memref<616xi32, #tpu.memory_space<vmem>>, vector<16xi32>,
      %parallel_loop3A_269 = vector.extract_strided_slice %parallel_loop3A_268 {offsets = [0], sizes = [1], strides = [1]} : vector<16xi32> to vector<1xi32>
      %parallel_loop3A_270 = vector.extract %parallel_loop3A_269[0] : i32 from vector<1xi32>
      %parallel_loop3A_271 = arith.index_cast %parallel_loop3A_270 : i32 to index
      %parallel_loop3A_272 = arith.constant 0 : index
      %parallel_loop3A_273 = tpu.vector_load %arg7[%parallel_loop3A_271, %parallel_loop3A_272] {strides = array<i32>} : memref<117x128xf32, #tpu.memory_space<vmem>>, vector<16xf32>,
      %parallel_loop3A_274 = arith.index_cast %parallel_loop3A_264 : i32 to index
      %parallel_loop3A_275 = arith.constant 0 : index
      %parallel_loop3A_276 = tpu.vector_load %arg8[%parallel_loop3A_274, %parallel_loop3A_275] {strides = array<i32>} : memref<304x128xf32, #tpu.memory_space<vmem>>, vector<16xf32>,
      tpu.vector_store %arg8[%parallel_loop3A_274, %parallel_loop3A_275], %parallel_loop3A_273 {strides = array<i32>} : memref<304x128xf32, #tpu.memory_space<vmem>>, vector<16xf32>,
      %parallel_loop3A_277 = arith.index_cast %parallel_loop3A_270 : i32 to index
      %parallel_loop3A_278 = arith.constant 16 : index
      %parallel_loop3A_279 = tpu.vector_load %arg7[%parallel_loop3A_277, %parallel_loop3A_278] {strides = array<i32>} : memref<117x128xf32, #tpu.memory_space<vmem>>, vector<16xf32>,
      %parallel_loop3A_280 = arith.index_cast %parallel_loop3A_264 : i32 to index
      %parallel_loop3A_281 = arith.constant 16 : index
      %parallel_loop3A_282 = tpu.vector_load %arg8[%parallel_loop3A_280, %parallel_loop3A_281] {strides = array<i32>} : memref<304x128xf32, #tpu.memory_space<vmem>>, vector<16xf32>,
      tpu.vector_store %arg8[%parallel_loop3A_280, %parallel_loop3A_281], %parallel_loop3A_279 {strides = array<i32>} : memref<304x128xf32, #tpu.memory_space<vmem>>, vector<16xf32>,
      %parallel_loop3A_283 = arith.index_cast %parallel_loop3A_270 : i32 to index
      %parallel_loop3A_284 = arith.constant 32 : index
      %parallel_loop3A_285 = tpu.vector_load %arg7[%parallel_loop3A_283, %parallel_loop3A_284] {strides = array<i32>} : memref<117x128xf32, #tpu.memory_space<vmem>>, vector<16xf32>,
      %parallel_loop3A_286 = arith.index_cast %parallel_loop3A_264 : i32 to index
      %parallel_loop3A_287 = arith.constant 32 : index
      %parallel_loop3A_288 = tpu.vector_load %arg8[%parallel_loop3A_286, %parallel_loop3A_287] {strides = array<i32>} : memref<304x128xf32, #tpu.memory_space<vmem>>, vector<16xf32>,
      tpu.vector_store %arg8[%parallel_loop3A_286, %parallel_loop3A_287], %parallel_loop3A_285 {strides = array<i32>} : memref<304x128xf32, #tpu.memory_space<vmem>>, vector<16xf32>,
      %parallel_loop3A_289 = arith.index_cast %parallel_loop3A_270 : i32 to index
      %parallel_loop3A_290 = arith.constant 48 : index
      %parallel_loop3A_291 = tpu.vector_load %arg7[%parallel_loop3A_289, %parallel_loop3A_290] {strides = array<i32>} : memref<117x128xf32, #tpu.memory_space<vmem>>, vector<16xf32>,
      %parallel_loop3A_292 = arith.index_cast %parallel_loop3A_264 : i32 to index
      %parallel_loop3A_293 = arith.constant 48 : index
      %parallel_loop3A_294 = tpu.vector_load %arg8[%parallel_loop3A_292, %parallel_loop3A_293] {strides = array<i32>} : memref<304x128xf32, #tpu.memory_space<vmem>>, vector<16xf32>,
      tpu.vector_store %arg8[%parallel_loop3A_292, %parallel_loop3A_293], %parallel_loop3A_291 {strides = array<i32>} : memref<304x128xf32, #tpu.memory_space<vmem>>, vector<16xf32>,
      %parallel_loop3A_295 = arith.index_cast %parallel_loop3A_270 : i32 to index
      %parallel_loop3A_296 = arith.constant 64 : index
      %parallel_loop3A_297 = tpu.vector_load %arg7[%parallel_loop3A_295, %parallel_loop3A_296] {strides = array<i32>} : memref<117x128xf32, #tpu.memory_space<vmem>>, vector<16xf32>,
      %parallel_loop3A_298 = arith.index_cast %parallel_loop3A_264 : i32 to index
      %parallel_loop3A_299 = arith.constant 64 : index
      %parallel_loop3A_300 = tpu.vector_load %arg8[%parallel_loop3A_298, %parallel_loop3A_299] {strides = array<i32>} : memref<304x128xf32, #tpu.memory_space<vmem>>, vector<16xf32>,
      tpu.vector_store %arg8[%parallel_loop3A_298, %parallel_loop3A_299], %parallel_loop3A_297 {strides = array<i32>} : memref<304x128xf32, #tpu.memory_space<vmem>>, vector<16xf32>,
      %parallel_loop3A_301 = arith.index_cast %parallel_loop3A_270 : i32 to index
      %parallel_loop3A_302 = arith.constant 80 : index
      %parallel_loop3A_303 = tpu.vector_load %arg7[%parallel_loop3A_301, %parallel_loop3A_302] {strides = array<i32>} : memref<117x128xf32, #tpu.memory_space<vmem>>, vector<16xf32>,
      %parallel_loop3A_304 = arith.index_cast %parallel_loop3A_264 : i32 to index
      %parallel_loop3A_305 = arith.constant 80 : index
      %parallel_loop3A_306 = tpu.vector_load %arg8[%parallel_loop3A_304, %parallel_loop3A_305] {strides = array<i32>} : memref<304x128xf32, #tpu.memory_space<vmem>>, vector<16xf32>,
      tpu.vector_store %arg8[%parallel_loop3A_304, %parallel_loop3A_305], %parallel_loop3A_303 {strides = array<i32>} : memref<304x128xf32, #tpu.memory_space<vmem>>, vector<16xf32>,
      %parallel_loop3A_307 = arith.index_cast %parallel_loop3A_270 : i32 to index
      %parallel_loop3A_308 = arith.constant 96 : index
      %parallel_loop3A_309 = tpu.vector_load %arg7[%parallel_loop3A_307, %parallel_loop3A_308] {strides = array<i32>} : memref<117x128xf32, #tpu.memory_space<vmem>>, vector<16xf32>,
      %parallel_loop3A_310 = arith.index_cast %parallel_loop3A_264 : i32 to index
      %parallel_loop3A_311 = arith.constant 96 : index
      %parallel_loop3A_312 = tpu.vector_load %arg8[%parallel_loop3A_310, %parallel_loop3A_311] {strides = array<i32>} : memref<304x128xf32, #tpu.memory_space<vmem>>, vector<16xf32>,
      tpu.vector_store %arg8[%parallel_loop3A_310, %parallel_loop3A_311], %parallel_loop3A_309 {strides = array<i32>} : memref<304x128xf32, #tpu.memory_space<vmem>>, vector<16xf32>,
      %parallel_loop3A_313 = arith.index_cast %parallel_loop3A_270 : i32 to index
      %parallel_loop3A_314 = arith.constant 112 : index
      %parallel_loop3A_315 = tpu.vector_load %arg7[%parallel_loop3A_313, %parallel_loop3A_314] {strides = array<i32>} : memref<117x128xf32, #tpu.memory_space<vmem>>, vector<16xf32>,
      %parallel_loop3A_316 = arith.index_cast %parallel_loop3A_264 : i32 to index
      %parallel_loop3A_317 = arith.constant 112 : index
      %parallel_loop3A_318 = tpu.vector_load %arg8[%parallel_loop3A_316, %parallel_loop3A_317] {strides = array<i32>} : memref<304x128xf32, #tpu.memory_space<vmem>>, vector<16xf32>,
      tpu.vector_store %arg8[%parallel_loop3A_316, %parallel_loop3A_317], %parallel_loop3A_315 {strides = array<i32>} : memref<304x128xf32, #tpu.memory_space<vmem>>, vector<16xf32>,
    } {sc.loop_unroll_factor = 2 : i64, sc.parallel_access}
    %add3A_93 = arith.constant 128 : i32
    %add3A_94 = arith.addi %mul3A_2, %add3A_93 : i32
    %dma_start3A_95 = arith.constant 0 : i32
    %dma_start3A_96 = arith.constant 0 : i32
    %dma_start3A_97 = tpu.memref_slice %arg8[%dma_start3A_95, %dma_start3A_96] : memref<304x128xf32, #tpu.memory_space<vmem>> -> memref<304x128xf32, #tpu.memory_space<vmem>>
    %dma_start3A_98 = arith.constant 0 : i32
    %dma_start3A_99 = tpu.memref_slice %arg4[%dma_start3A_98, %add3A_94] : memref<600x16384xf32, #tpu.memory_space<hbm>> -> memref<304x128xf32, #tpu.memory_space<hbm>>
    %dma_start3A_100 = arith.constant 0 : i32
    %dma_start3A_101 = tpu.memref_slice %arg4[%dma_start3A_100, %add3A_94] : memref<600x16384xf32, #tpu.memory_space<hbm>> -> memref<304x128xf32, #tpu.memory_space<hbm>>
    %dma_start3A_102 = arith.constant 0 : i32
    %dma_start3A_103 = arith.constant 0 : i32
    %dma_start3A_104 = tpu.memref_slice %arg8[%dma_start3A_102, %dma_start3A_103] : memref<304x128xf32, #tpu.memory_space<vmem>> -> memref<304x128xf32, #tpu.memory_space<vmem>>
    tpu.enqueue_dma source(%dma_start3A_104 : memref<304x128xf32, #tpu.memory_space<vmem>>) target(%dma_start3A_101 : memref<304x128xf32, #tpu.memory_space<hbm>>) target_semaphore(%arg13 : memref<!tpu.dma_semaphore, #tpu.memory_space<semaphore_mem>>)
    %dma_wait3A_105 = arith.constant 0 : i32
    %dma_wait3A_106 = arith.constant 0 : i32
    %dma_wait3A_107 = tpu.memref_slice %arg9[%dma_wait3A_105, %dma_wait3A_106] : memref<304x128xf32, #tpu.memory_space<vmem>> -> memref<296x128xf32, #tpu.memory_space<vmem>>
    %dma_wait3A_108 = arith.constant 304 : i32
    %dma_wait3A_109 = tpu.memref_slice %arg4[%dma_wait3A_108, %add3A_59] : memref<600x16384xf32, #tpu.memory_space<hbm>> -> memref<296x128xf32, #tpu.memory_space<hbm>>
    %dma_wait3A_110 = arith.constant 304 : i32
    %dma_wait3A_111 = tpu.memref_slice %arg4[%dma_wait3A_110, %add3A_59] : memref<600x16384xf32, #tpu.memory_space<hbm>> -> memref<296x128xf32, #tpu.memory_space<hbm>>
    %dma_wait3A_112 = arith.constant 0 : i32
    %dma_wait3A_113 = arith.constant 0 : i32
    %dma_wait3A_114 = tpu.memref_slice %arg9[%dma_wait3A_112, %dma_wait3A_113] : memref<304x128xf32, #tpu.memory_space<vmem>> -> memref<296x128xf32, #tpu.memory_space<vmem>>
    tpu.wait_dma2 semaphore(%arg14 : memref<!tpu.dma_semaphore, #tpu.memory_space<semaphore_mem>>) src(%dma_wait3A_114 : memref<296x128xf32, #tpu.memory_space<vmem>>) dst(%dma_wait3A_111 : memref<296x128xf32, #tpu.memory_space<hbm>>)
    %parallel_loop3A_115 = arith.constant 0 : i32
    %parallel_loop3A_116 = arith.constant 296 : i32
    %parallel_loop3A_117 = arith.constant 1 : i32
    scf.for %parallel_loop3A_264 = %parallel_loop3A_115 to %parallel_loop3A_116 step %parallel_loop3A_117  : i32 {
      %parallel_loop3A_265 = arith.constant 304 : i32
      %parallel_loop3A_266 = arith.addi %parallel_loop3A_265, %parallel_loop3A_264 : i32
      %parallel_loop3A_267 = arith.index_cast %parallel_loop3A_266 : i32 to index
      %parallel_loop3A_268 = tpu.vector_load %arg5[%parallel_loop3A_267] {strides = array<i32>} : memref<616xi32, #tpu.memory_space<vmem>>, vector<16xi32>,
      %parallel_loop3A_269 = vector.extract_strided_slice %parallel_loop3A_268 {offsets = [0], sizes = [1], strides = [1]} : vector<16xi32> to vector<1xi32>
      %parallel_loop3A_270 = vector.extract %parallel_loop3A_269[0] : i32 from vector<1xi32>
      %parallel_loop3A_271 = arith.index_cast %parallel_loop3A_270 : i32 to index
      %parallel_loop3A_272 = arith.constant 0 : index
      %parallel_loop3A_273 = tpu.vector_load %arg7[%parallel_loop3A_271, %parallel_loop3A_272] {strides = array<i32>} : memref<117x128xf32, #tpu.memory_space<vmem>>, vector<16xf32>,
      %parallel_loop3A_274 = arith.index_cast %parallel_loop3A_264 : i32 to index
      %parallel_loop3A_275 = arith.constant 0 : index
      %parallel_loop3A_276 = tpu.vector_load %arg9[%parallel_loop3A_274, %parallel_loop3A_275] {strides = array<i32>} : memref<304x128xf32, #tpu.memory_space<vmem>>, vector<16xf32>,
      tpu.vector_store %arg9[%parallel_loop3A_274, %parallel_loop3A_275], %parallel_loop3A_273 {strides = array<i32>} : memref<304x128xf32, #tpu.memory_space<vmem>>, vector<16xf32>,
      %parallel_loop3A_277 = arith.index_cast %parallel_loop3A_270 : i32 to index
      %parallel_loop3A_278 = arith.constant 16 : index
      %parallel_loop3A_279 = tpu.vector_load %arg7[%parallel_loop3A_277, %parallel_loop3A_278] {strides = array<i32>} : memref<117x128xf32, #tpu.memory_space<vmem>>, vector<16xf32>,
      %parallel_loop3A_280 = arith.index_cast %parallel_loop3A_264 : i32 to index
      %parallel_loop3A_281 = arith.constant 16 : index
      %parallel_loop3A_282 = tpu.vector_load %arg9[%parallel_loop3A_280, %parallel_loop3A_281] {strides = array<i32>} : memref<304x128xf32, #tpu.memory_space<vmem>>, vector<16xf32>,
      tpu.vector_store %arg9[%parallel_loop3A_280, %parallel_loop3A_281], %parallel_loop3A_279 {strides = array<i32>} : memref<304x128xf32, #tpu.memory_space<vmem>>, vector<16xf32>,
      %parallel_loop3A_283 = arith.index_cast %parallel_loop3A_270 : i32 to index
      %parallel_loop3A_284 = arith.constant 32 : index
      %parallel_loop3A_285 = tpu.vector_load %arg7[%parallel_loop3A_283, %parallel_loop3A_284] {strides = array<i32>} : memref<117x128xf32, #tpu.memory_space<vmem>>, vector<16xf32>,
      %parallel_loop3A_286 = arith.index_cast %parallel_loop3A_264 : i32 to index
      %parallel_loop3A_287 = arith.constant 32 : index
      %parallel_loop3A_288 = tpu.vector_load %arg9[%parallel_loop3A_286, %parallel_loop3A_287] {strides = array<i32>} : memref<304x128xf32, #tpu.memory_space<vmem>>, vector<16xf32>,
      tpu.vector_store %arg9[%parallel_loop3A_286, %parallel_loop3A_287], %parallel_loop3A_285 {strides = array<i32>} : memref<304x128xf32, #tpu.memory_space<vmem>>, vector<16xf32>,
      %parallel_loop3A_289 = arith.index_cast %parallel_loop3A_270 : i32 to index
      %parallel_loop3A_290 = arith.constant 48 : index
      %parallel_loop3A_291 = tpu.vector_load %arg7[%parallel_loop3A_289, %parallel_loop3A_290] {strides = array<i32>} : memref<117x128xf32, #tpu.memory_space<vmem>>, vector<16xf32>,
      %parallel_loop3A_292 = arith.index_cast %parallel_loop3A_264 : i32 to index
      %parallel_loop3A_293 = arith.constant 48 : index
      %parallel_loop3A_294 = tpu.vector_load %arg9[%parallel_loop3A_292, %parallel_loop3A_293] {strides = array<i32>} : memref<304x128xf32, #tpu.memory_space<vmem>>, vector<16xf32>,
      tpu.vector_store %arg9[%parallel_loop3A_292, %parallel_loop3A_293], %parallel_loop3A_291 {strides = array<i32>} : memref<304x128xf32, #tpu.memory_space<vmem>>, vector<16xf32>,
      %parallel_loop3A_295 = arith.index_cast %parallel_loop3A_270 : i32 to index
      %parallel_loop3A_296 = arith.constant 64 : index
      %parallel_loop3A_297 = tpu.vector_load %arg7[%parallel_loop3A_295, %parallel_loop3A_296] {strides = array<i32>} : memref<117x128xf32, #tpu.memory_space<vmem>>, vector<16xf32>,
      %parallel_loop3A_298 = arith.index_cast %parallel_loop3A_264 : i32 to index
      %parallel_loop3A_299 = arith.constant 64 : index
      %parallel_loop3A_300 = tpu.vector_load %arg9[%parallel_loop3A_298, %parallel_loop3A_299] {strides = array<i32>} : memref<304x128xf32, #tpu.memory_space<vmem>>, vector<16xf32>,
      tpu.vector_store %arg9[%parallel_loop3A_298, %parallel_loop3A_299], %parallel_loop3A_297 {strides = array<i32>} : memref<304x128xf32, #tpu.memory_space<vmem>>, vector<16xf32>,
      %parallel_loop3A_301 = arith.index_cast %parallel_loop3A_270 : i32 to index
      %parallel_loop3A_302 = arith.constant 80 : index
      %parallel_loop3A_303 = tpu.vector_load %arg7[%parallel_loop3A_301, %parallel_loop3A_302] {strides = array<i32>} : memref<117x128xf32, #tpu.memory_space<vmem>>, vector<16xf32>,
      %parallel_loop3A_304 = arith.index_cast %parallel_loop3A_264 : i32 to index
      %parallel_loop3A_305 = arith.constant 80 : index
      %parallel_loop3A_306 = tpu.vector_load %arg9[%parallel_loop3A_304, %parallel_loop3A_305] {strides = array<i32>} : memref<304x128xf32, #tpu.memory_space<vmem>>, vector<16xf32>,
      tpu.vector_store %arg9[%parallel_loop3A_304, %parallel_loop3A_305], %parallel_loop3A_303 {strides = array<i32>} : memref<304x128xf32, #tpu.memory_space<vmem>>, vector<16xf32>,
      %parallel_loop3A_307 = arith.index_cast %parallel_loop3A_270 : i32 to index
      %parallel_loop3A_308 = arith.constant 96 : index
      %parallel_loop3A_309 = tpu.vector_load %arg7[%parallel_loop3A_307, %parallel_loop3A_308] {strides = array<i32>} : memref<117x128xf32, #tpu.memory_space<vmem>>, vector<16xf32>,
      %parallel_loop3A_310 = arith.index_cast %parallel_loop3A_264 : i32 to index
      %parallel_loop3A_311 = arith.constant 96 : index
      %parallel_loop3A_312 = tpu.vector_load %arg9[%parallel_loop3A_310, %parallel_loop3A_311] {strides = array<i32>} : memref<304x128xf32, #tpu.memory_space<vmem>>, vector<16xf32>,
      tpu.vector_store %arg9[%parallel_loop3A_310, %parallel_loop3A_311], %parallel_loop3A_309 {strides = array<i32>} : memref<304x128xf32, #tpu.memory_space<vmem>>, vector<16xf32>,
      %parallel_loop3A_313 = arith.index_cast %parallel_loop3A_270 : i32 to index
      %parallel_loop3A_314 = arith.constant 112 : index
      %parallel_loop3A_315 = tpu.vector_load %arg7[%parallel_loop3A_313, %parallel_loop3A_314] {strides = array<i32>} : memref<117x128xf32, #tpu.memory_space<vmem>>, vector<16xf32>,
      %parallel_loop3A_316 = arith.index_cast %parallel_loop3A_264 : i32 to index
      %parallel_loop3A_317 = arith.constant 112 : index
      %parallel_loop3A_318 = tpu.vector_load %arg9[%parallel_loop3A_316, %parallel_loop3A_317] {strides = array<i32>} : memref<304x128xf32, #tpu.memory_space<vmem>>, vector<16xf32>,
      tpu.vector_store %arg9[%parallel_loop3A_316, %parallel_loop3A_317], %parallel_loop3A_315 {strides = array<i32>} : memref<304x128xf32, #tpu.memory_space<vmem>>, vector<16xf32>,
    } {sc.loop_unroll_factor = 2 : i64, sc.parallel_access}
    %add3A_118 = arith.constant 128 : i32
    %add3A_119 = arith.addi %mul3A_2, %add3A_118 : i32
    %dma_start3A_120 = arith.constant 0 : i32
    %dma_start3A_121 = arith.constant 0 : i32
    %dma_start3A_122 = tpu.memref_slice %arg9[%dma_start3A_120, %dma_start3A_121] : memref<304x128xf32, #tpu.memory_space<vmem>> -> memref<296x128xf32, #tpu.memory_space<vmem>>
    %dma_start3A_123 = arith.constant 304 : i32
    %dma_start3A_124 = tpu.memref_slice %arg4[%dma_start3A_123, %add3A_119] : memref<600x16384xf32, #tpu.memory_space<hbm>> -> memref<296x128xf32, #tpu.memory_space<hbm>>
    %dma_start3A_125 = arith.constant 304 : i32
    %dma_start3A_126 = tpu.memref_slice %arg4[%dma_start3A_125, %add3A_119] : memref<600x16384xf32, #tpu.memory_space<hbm>> -> memref<296x128xf32, #tpu.memory_space<hbm>>
    %dma_start3A_127 = arith.constant 0 : i32
    %dma_start3A_128 = arith.constant 0 : i32
    %dma_start3A_129 = tpu.memref_slice %arg9[%dma_start3A_127, %dma_start3A_128] : memref<304x128xf32, #tpu.memory_space<vmem>> -> memref<296x128xf32, #tpu.memory_space<vmem>>
    tpu.enqueue_dma source(%dma_start3A_129 : memref<296x128xf32, #tpu.memory_space<vmem>>) target(%dma_start3A_126 : memref<296x128xf32, #tpu.memory_space<hbm>>) target_semaphore(%arg14 : memref<!tpu.dma_semaphore, #tpu.memory_space<semaphore_mem>>)
    %add3A_130 = arith.constant 384 : i32
    %add3A_131 = arith.addi %mul3A_2, %add3A_130 : i32
    %dma_start3A_132 = arith.constant 0 : i32
    %dma_start3A_133 = tpu.memref_slice %arg2[%dma_start3A_132, %add3A_131] : memref<117x16384xf32, #tpu.memory_space<hbm>> -> memref<117x128xf32, #tpu.memory_space<hbm>>
    %dma_start3A_134 = arith.constant 0 : i32
    %dma_start3A_135 = tpu.memref_slice %arg2[%dma_start3A_134, %add3A_131] : memref<117x16384xf32, #tpu.memory_space<hbm>> -> memref<117x128xf32, #tpu.memory_space<hbm>>
    tpu.enqueue_dma source(%dma_start3A_135 : memref<117x128xf32, #tpu.memory_space<hbm>>) target(%arg7 : memref<117x128xf32, #tpu.memory_space<vmem>>) target_semaphore(%arg12 : memref<!tpu.dma_semaphore, #tpu.memory_space<semaphore_mem>>)
    %dma_wait3A_136 = arith.constant 0 : i32
    %dma_wait3A_137 = tpu.memref_slice %arg2[%dma_wait3A_136, %add3A_71] : memref<117x16384xf32, #tpu.memory_space<hbm>> -> memref<117x128xf32, #tpu.memory_space<hbm>>
    %dma_wait3A_138 = arith.constant 0 : i32
    %dma_wait3A_139 = tpu.memref_slice %arg2[%dma_wait3A_138, %add3A_71] : memref<117x16384xf32, #tpu.memory_space<hbm>> -> memref<117x128xf32, #tpu.memory_space<hbm>>
    tpu.wait_dma2 semaphore(%arg11 : memref<!tpu.dma_semaphore, #tpu.memory_space<semaphore_mem>>) src(%dma_wait3A_139 : memref<117x128xf32, #tpu.memory_space<hbm>>) dst(%arg6 : memref<117x128xf32, #tpu.memory_space<vmem>>)
    %dma_wait3A_140 = arith.constant 0 : i32
    %dma_wait3A_141 = arith.constant 0 : i32
    %dma_wait3A_142 = tpu.memref_slice %arg8[%dma_wait3A_140, %dma_wait3A_141] : memref<304x128xf32, #tpu.memory_space<vmem>> -> memref<304x128xf32, #tpu.memory_space<vmem>>
    %dma_wait3A_143 = arith.constant 0 : i32
    %dma_wait3A_144 = tpu.memref_slice %arg4[%dma_wait3A_143, %add3A_94] : memref<600x16384xf32, #tpu.memory_space<hbm>> -> memref<304x128xf32, #tpu.memory_space<hbm>>
    %dma_wait3A_145 = arith.constant 0 : i32
    %dma_wait3A_146 = tpu.memref_slice %arg4[%dma_wait3A_145, %add3A_94] : memref<600x16384xf32, #tpu.memory_space<hbm>> -> memref<304x128xf32, #tpu.memory_space<hbm>>
    %dma_wait3A_147 = arith.constant 0 : i32
    %dma_wait3A_148 = arith.constant 0 : i32
    %dma_wait3A_149 = tpu.memref_slice %arg8[%dma_wait3A_147, %dma_wait3A_148] : memref<304x128xf32, #tpu.memory_space<vmem>> -> memref<304x128xf32, #tpu.memory_space<vmem>>
    tpu.wait_dma2 semaphore(%arg13 : memref<!tpu.dma_semaphore, #tpu.memory_space<semaphore_mem>>) src(%dma_wait3A_149 : memref<304x128xf32, #tpu.memory_space<vmem>>) dst(%dma_wait3A_146 : memref<304x128xf32, #tpu.memory_space<hbm>>)
    %parallel_loop3A_150 = arith.constant 0 : i32
    %parallel_loop3A_151 = arith.constant 304 : i32
    %parallel_loop3A_152 = arith.constant 1 : i32
    scf.for %parallel_loop3A_264 = %parallel_loop3A_150 to %parallel_loop3A_151 step %parallel_loop3A_152  : i32 {
      %parallel_loop3A_265 = arith.constant 0 : i32
      %parallel_loop3A_266 = arith.addi %parallel_loop3A_265, %parallel_loop3A_264 : i32
      %parallel_loop3A_267 = arith.index_cast %parallel_loop3A_266 : i32 to index
      %parallel_loop3A_268 = tpu.vector_load %arg5[%parallel_loop3A_267] {strides = array<i32>} : memref<616xi32, #tpu.memory_space<vmem>>, vector<16xi32>,
      %parallel_loop3A_269 = vector.extract_strided_slice %parallel_loop3A_268 {offsets = [0], sizes = [1], strides = [1]} : vector<16xi32> to vector<1xi32>
      %parallel_loop3A_270 = vector.extract %parallel_loop3A_269[0] : i32 from vector<1xi32>
      %parallel_loop3A_271 = arith.index_cast %parallel_loop3A_270 : i32 to index
      %parallel_loop3A_272 = arith.constant 0 : index
      %parallel_loop3A_273 = tpu.vector_load %arg6[%parallel_loop3A_271, %parallel_loop3A_272] {strides = array<i32>} : memref<117x128xf32, #tpu.memory_space<vmem>>, vector<16xf32>,
      %parallel_loop3A_274 = arith.index_cast %parallel_loop3A_264 : i32 to index
      %parallel_loop3A_275 = arith.constant 0 : index
      %parallel_loop3A_276 = tpu.vector_load %arg8[%parallel_loop3A_274, %parallel_loop3A_275] {strides = array<i32>} : memref<304x128xf32, #tpu.memory_space<vmem>>, vector<16xf32>,
      tpu.vector_store %arg8[%parallel_loop3A_274, %parallel_loop3A_275], %parallel_loop3A_273 {strides = array<i32>} : memref<304x128xf32, #tpu.memory_space<vmem>>, vector<16xf32>,
      %parallel_loop3A_277 = arith.index_cast %parallel_loop3A_270 : i32 to index
      %parallel_loop3A_278 = arith.constant 16 : index
      %parallel_loop3A_279 = tpu.vector_load %arg6[%parallel_loop3A_277, %parallel_loop3A_278] {strides = array<i32>} : memref<117x128xf32, #tpu.memory_space<vmem>>, vector<16xf32>,
      %parallel_loop3A_280 = arith.index_cast %parallel_loop3A_264 : i32 to index
      %parallel_loop3A_281 = arith.constant 16 : index
      %parallel_loop3A_282 = tpu.vector_load %arg8[%parallel_loop3A_280, %parallel_loop3A_281] {strides = array<i32>} : memref<304x128xf32, #tpu.memory_space<vmem>>, vector<16xf32>,
      tpu.vector_store %arg8[%parallel_loop3A_280, %parallel_loop3A_281], %parallel_loop3A_279 {strides = array<i32>} : memref<304x128xf32, #tpu.memory_space<vmem>>, vector<16xf32>,
      %parallel_loop3A_283 = arith.index_cast %parallel_loop3A_270 : i32 to index
      %parallel_loop3A_284 = arith.constant 32 : index
      %parallel_loop3A_285 = tpu.vector_load %arg6[%parallel_loop3A_283, %parallel_loop3A_284] {strides = array<i32>} : memref<117x128xf32, #tpu.memory_space<vmem>>, vector<16xf32>,
      %parallel_loop3A_286 = arith.index_cast %parallel_loop3A_264 : i32 to index
      %parallel_loop3A_287 = arith.constant 32 : index
      %parallel_loop3A_288 = tpu.vector_load %arg8[%parallel_loop3A_286, %parallel_loop3A_287] {strides = array<i32>} : memref<304x128xf32, #tpu.memory_space<vmem>>, vector<16xf32>,
      tpu.vector_store %arg8[%parallel_loop3A_286, %parallel_loop3A_287], %parallel_loop3A_285 {strides = array<i32>} : memref<304x128xf32, #tpu.memory_space<vmem>>, vector<16xf32>,
      %parallel_loop3A_289 = arith.index_cast %parallel_loop3A_270 : i32 to index
      %parallel_loop3A_290 = arith.constant 48 : index
      %parallel_loop3A_291 = tpu.vector_load %arg6[%parallel_loop3A_289, %parallel_loop3A_290] {strides = array<i32>} : memref<117x128xf32, #tpu.memory_space<vmem>>, vector<16xf32>,
      %parallel_loop3A_292 = arith.index_cast %parallel_loop3A_264 : i32 to index
      %parallel_loop3A_293 = arith.constant 48 : index
      %parallel_loop3A_294 = tpu.vector_load %arg8[%parallel_loop3A_292, %parallel_loop3A_293] {strides = array<i32>} : memref<304x128xf32, #tpu.memory_space<vmem>>, vector<16xf32>,
      tpu.vector_store %arg8[%parallel_loop3A_292, %parallel_loop3A_293], %parallel_loop3A_291 {strides = array<i32>} : memref<304x128xf32, #tpu.memory_space<vmem>>, vector<16xf32>,
      %parallel_loop3A_295 = arith.index_cast %parallel_loop3A_270 : i32 to index
      %parallel_loop3A_296 = arith.constant 64 : index
      %parallel_loop3A_297 = tpu.vector_load %arg6[%parallel_loop3A_295, %parallel_loop3A_296] {strides = array<i32>} : memref<117x128xf32, #tpu.memory_space<vmem>>, vector<16xf32>,
      %parallel_loop3A_298 = arith.index_cast %parallel_loop3A_264 : i32 to index
      %parallel_loop3A_299 = arith.constant 64 : index
      %parallel_loop3A_300 = tpu.vector_load %arg8[%parallel_loop3A_298, %parallel_loop3A_299] {strides = array<i32>} : memref<304x128xf32, #tpu.memory_space<vmem>>, vector<16xf32>,
      tpu.vector_store %arg8[%parallel_loop3A_298, %parallel_loop3A_299], %parallel_loop3A_297 {strides = array<i32>} : memref<304x128xf32, #tpu.memory_space<vmem>>, vector<16xf32>,
      %parallel_loop3A_301 = arith.index_cast %parallel_loop3A_270 : i32 to index
      %parallel_loop3A_302 = arith.constant 80 : index
      %parallel_loop3A_303 = tpu.vector_load %arg6[%parallel_loop3A_301, %parallel_loop3A_302] {strides = array<i32>} : memref<117x128xf32, #tpu.memory_space<vmem>>, vector<16xf32>,
      %parallel_loop3A_304 = arith.index_cast %parallel_loop3A_264 : i32 to index
      %parallel_loop3A_305 = arith.constant 80 : index
      %parallel_loop3A_306 = tpu.vector_load %arg8[%parallel_loop3A_304, %parallel_loop3A_305] {strides = array<i32>} : memref<304x128xf32, #tpu.memory_space<vmem>>, vector<16xf32>,
      tpu.vector_store %arg8[%parallel_loop3A_304, %parallel_loop3A_305], %parallel_loop3A_303 {strides = array<i32>} : memref<304x128xf32, #tpu.memory_space<vmem>>, vector<16xf32>,
      %parallel_loop3A_307 = arith.index_cast %parallel_loop3A_270 : i32 to index
      %parallel_loop3A_308 = arith.constant 96 : index
      %parallel_loop3A_309 = tpu.vector_load %arg6[%parallel_loop3A_307, %parallel_loop3A_308] {strides = array<i32>} : memref<117x128xf32, #tpu.memory_space<vmem>>, vector<16xf32>,
      %parallel_loop3A_310 = arith.index_cast %parallel_loop3A_264 : i32 to index
      %parallel_loop3A_311 = arith.constant 96 : index
      %parallel_loop3A_312 = tpu.vector_load %arg8[%parallel_loop3A_310, %parallel_loop3A_311] {strides = array<i32>} : memref<304x128xf32, #tpu.memory_space<vmem>>, vector<16xf32>,
      tpu.vector_store %arg8[%parallel_loop3A_310, %parallel_loop3A_311], %parallel_loop3A_309 {strides = array<i32>} : memref<304x128xf32, #tpu.memory_space<vmem>>, vector<16xf32>,
      %parallel_loop3A_313 = arith.index_cast %parallel_loop3A_270 : i32 to index
      %parallel_loop3A_314 = arith.constant 112 : index
      %parallel_loop3A_315 = tpu.vector_load %arg6[%parallel_loop3A_313, %parallel_loop3A_314] {strides = array<i32>} : memref<117x128xf32, #tpu.memory_space<vmem>>, vector<16xf32>,
      %parallel_loop3A_316 = arith.index_cast %parallel_loop3A_264 : i32 to index
      %parallel_loop3A_317 = arith.constant 112 : index
      %parallel_loop3A_318 = tpu.vector_load %arg8[%parallel_loop3A_316, %parallel_loop3A_317] {strides = array<i32>} : memref<304x128xf32, #tpu.memory_space<vmem>>, vector<16xf32>,
      tpu.vector_store %arg8[%parallel_loop3A_316, %parallel_loop3A_317], %parallel_loop3A_315 {strides = array<i32>} : memref<304x128xf32, #tpu.memory_space<vmem>>, vector<16xf32>,
    } {sc.loop_unroll_factor = 2 : i64, sc.parallel_access}
    %add3A_153 = arith.constant 256 : i32
    %add3A_154 = arith.addi %mul3A_2, %add3A_153 : i32
    %dma_start3A_155 = arith.constant 0 : i32
    %dma_start3A_156 = arith.constant 0 : i32
    %dma_start3A_157 = tpu.memref_slice %arg8[%dma_start3A_155, %dma_start3A_156] : memref<304x128xf32, #tpu.memory_space<vmem>> -> memref<304x128xf32, #tpu.memory_space<vmem>>
    %dma_start3A_158 = arith.constant 0 : i32
    %dma_start3A_159 = tpu.memref_slice %arg4[%dma_start3A_158, %add3A_154] : memref<600x16384xf32, #tpu.memory_space<hbm>> -> memref<304x128xf32, #tpu.memory_space<hbm>>
    %dma_start3A_160 = arith.constant 0 : i32
    %dma_start3A_161 = tpu.memref_slice %arg4[%dma_start3A_160, %add3A_154] : memref<600x16384xf32, #tpu.memory_space<hbm>> -> memref<304x128xf32, #tpu.memory_space<hbm>>
    %dma_start3A_162 = arith.constant 0 : i32
    %dma_start3A_163 = arith.constant 0 : i32
    %dma_start3A_164 = tpu.memref_slice %arg8[%dma_start3A_162, %dma_start3A_163] : memref<304x128xf32, #tpu.memory_space<vmem>> -> memref<304x128xf32, #tpu.memory_space<vmem>>
    tpu.enqueue_dma source(%dma_start3A_164 : memref<304x128xf32, #tpu.memory_space<vmem>>) target(%dma_start3A_161 : memref<304x128xf32, #tpu.memory_space<hbm>>) target_semaphore(%arg13 : memref<!tpu.dma_semaphore, #tpu.memory_space<semaphore_mem>>)
    %dma_wait3A_165 = arith.constant 0 : i32
    %dma_wait3A_166 = arith.constant 0 : i32
    %dma_wait3A_167 = tpu.memref_slice %arg9[%dma_wait3A_165, %dma_wait3A_166] : memref<304x128xf32, #tpu.memory_space<vmem>> -> memref<296x128xf32, #tpu.memory_space<vmem>>
    %dma_wait3A_168 = arith.constant 304 : i32
    %dma_wait3A_169 = tpu.memref_slice %arg4[%dma_wait3A_168, %add3A_119] : memref<600x16384xf32, #tpu.memory_space<hbm>> -> memref<296x128xf32, #tpu.memory_space<hbm>>
    %dma_wait3A_170 = arith.constant 304 : i32
    %dma_wait3A_171 = tpu.memref_slice %arg4[%dma_wait3A_170, %add3A_119] : memref<600x16384xf32, #tpu.memory_space<hbm>> -> memref<296x128xf32, #tpu.memory_space<hbm>>
    %dma_wait3A_172 = arith.constant 0 : i32
    %dma_wait3A_173 = arith.constant 0 : i32
    %dma_wait3A_174 = tpu.memref_slice %arg9[%dma_wait3A_172, %dma_wait3A_173] : memref<304x128xf32, #tpu.memory_space<vmem>> -> memref<296x128xf32, #tpu.memory_space<vmem>>
    tpu.wait_dma2 semaphore(%arg14 : memref<!tpu.dma_semaphore, #tpu.memory_space<semaphore_mem>>) src(%dma_wait3A_174 : memref<296x128xf32, #tpu.memory_space<vmem>>) dst(%dma_wait3A_171 : memref<296x128xf32, #tpu.memory_space<hbm>>)
    %parallel_loop3A_175 = arith.constant 0 : i32
    %parallel_loop3A_176 = arith.constant 296 : i32
    %parallel_loop3A_177 = arith.constant 1 : i32
    scf.for %parallel_loop3A_264 = %parallel_loop3A_175 to %parallel_loop3A_176 step %parallel_loop3A_177  : i32 {
      %parallel_loop3A_265 = arith.constant 304 : i32
      %parallel_loop3A_266 = arith.addi %parallel_loop3A_265, %parallel_loop3A_264 : i32
      %parallel_loop3A_267 = arith.index_cast %parallel_loop3A_266 : i32 to index
      %parallel_loop3A_268 = tpu.vector_load %arg5[%parallel_loop3A_267] {strides = array<i32>} : memref<616xi32, #tpu.memory_space<vmem>>, vector<16xi32>,
      %parallel_loop3A_269 = vector.extract_strided_slice %parallel_loop3A_268 {offsets = [0], sizes = [1], strides = [1]} : vector<16xi32> to vector<1xi32>
      %parallel_loop3A_270 = vector.extract %parallel_loop3A_269[0] : i32 from vector<1xi32>
      %parallel_loop3A_271 = arith.index_cast %parallel_loop3A_270 : i32 to index
      %parallel_loop3A_272 = arith.constant 0 : index
      %parallel_loop3A_273 = tpu.vector_load %arg6[%parallel_loop3A_271, %parallel_loop3A_272] {strides = array<i32>} : memref<117x128xf32, #tpu.memory_space<vmem>>, vector<16xf32>,
      %parallel_loop3A_274 = arith.index_cast %parallel_loop3A_264 : i32 to index
      %parallel_loop3A_275 = arith.constant 0 : index
      %parallel_loop3A_276 = tpu.vector_load %arg9[%parallel_loop3A_274, %parallel_loop3A_275] {strides = array<i32>} : memref<304x128xf32, #tpu.memory_space<vmem>>, vector<16xf32>,
      tpu.vector_store %arg9[%parallel_loop3A_274, %parallel_loop3A_275], %parallel_loop3A_273 {strides = array<i32>} : memref<304x128xf32, #tpu.memory_space<vmem>>, vector<16xf32>,
      %parallel_loop3A_277 = arith.index_cast %parallel_loop3A_270 : i32 to index
      %parallel_loop3A_278 = arith.constant 16 : index
      %parallel_loop3A_279 = tpu.vector_load %arg6[%parallel_loop3A_277, %parallel_loop3A_278] {strides = array<i32>} : memref<117x128xf32, #tpu.memory_space<vmem>>, vector<16xf32>,
      %parallel_loop3A_280 = arith.index_cast %parallel_loop3A_264 : i32 to index
      %parallel_loop3A_281 = arith.constant 16 : index
      %parallel_loop3A_282 = tpu.vector_load %arg9[%parallel_loop3A_280, %parallel_loop3A_281] {strides = array<i32>} : memref<304x128xf32, #tpu.memory_space<vmem>>, vector<16xf32>,
      tpu.vector_store %arg9[%parallel_loop3A_280, %parallel_loop3A_281], %parallel_loop3A_279 {strides = array<i32>} : memref<304x128xf32, #tpu.memory_space<vmem>>, vector<16xf32>,
      %parallel_loop3A_283 = arith.index_cast %parallel_loop3A_270 : i32 to index
      %parallel_loop3A_284 = arith.constant 32 : index
      %parallel_loop3A_285 = tpu.vector_load %arg6[%parallel_loop3A_283, %parallel_loop3A_284] {strides = array<i32>} : memref<117x128xf32, #tpu.memory_space<vmem>>, vector<16xf32>,
      %parallel_loop3A_286 = arith.index_cast %parallel_loop3A_264 : i32 to index
      %parallel_loop3A_287 = arith.constant 32 : index
      %parallel_loop3A_288 = tpu.vector_load %arg9[%parallel_loop3A_286, %parallel_loop3A_287] {strides = array<i32>} : memref<304x128xf32, #tpu.memory_space<vmem>>, vector<16xf32>,
      tpu.vector_store %arg9[%parallel_loop3A_286, %parallel_loop3A_287], %parallel_loop3A_285 {strides = array<i32>} : memref<304x128xf32, #tpu.memory_space<vmem>>, vector<16xf32>,
      %parallel_loop3A_289 = arith.index_cast %parallel_loop3A_270 : i32 to index
      %parallel_loop3A_290 = arith.constant 48 : index
      %parallel_loop3A_291 = tpu.vector_load %arg6[%parallel_loop3A_289, %parallel_loop3A_290] {strides = array<i32>} : memref<117x128xf32, #tpu.memory_space<vmem>>, vector<16xf32>,
      %parallel_loop3A_292 = arith.index_cast %parallel_loop3A_264 : i32 to index
      %parallel_loop3A_293 = arith.constant 48 : index
      %parallel_loop3A_294 = tpu.vector_load %arg9[%parallel_loop3A_292, %parallel_loop3A_293] {strides = array<i32>} : memref<304x128xf32, #tpu.memory_space<vmem>>, vector<16xf32>,
      tpu.vector_store %arg9[%parallel_loop3A_292, %parallel_loop3A_293], %parallel_loop3A_291 {strides = array<i32>} : memref<304x128xf32, #tpu.memory_space<vmem>>, vector<16xf32>,
      %parallel_loop3A_295 = arith.index_cast %parallel_loop3A_270 : i32 to index
      %parallel_loop3A_296 = arith.constant 64 : index
      %parallel_loop3A_297 = tpu.vector_load %arg6[%parallel_loop3A_295, %parallel_loop3A_296] {strides = array<i32>} : memref<117x128xf32, #tpu.memory_space<vmem>>, vector<16xf32>,
      %parallel_loop3A_298 = arith.index_cast %parallel_loop3A_264 : i32 to index
      %parallel_loop3A_299 = arith.constant 64 : index
      %parallel_loop3A_300 = tpu.vector_load %arg9[%parallel_loop3A_298, %parallel_loop3A_299] {strides = array<i32>} : memref<304x128xf32, #tpu.memory_space<vmem>>, vector<16xf32>,
      tpu.vector_store %arg9[%parallel_loop3A_298, %parallel_loop3A_299], %parallel_loop3A_297 {strides = array<i32>} : memref<304x128xf32, #tpu.memory_space<vmem>>, vector<16xf32>,
      %parallel_loop3A_301 = arith.index_cast %parallel_loop3A_270 : i32 to index
      %parallel_loop3A_302 = arith.constant 80 : index
      %parallel_loop3A_303 = tpu.vector_load %arg6[%parallel_loop3A_301, %parallel_loop3A_302] {strides = array<i32>} : memref<117x128xf32, #tpu.memory_space<vmem>>, vector<16xf32>,
      %parallel_loop3A_304 = arith.index_cast %parallel_loop3A_264 : i32 to index
      %parallel_loop3A_305 = arith.constant 80 : index
      %parallel_loop3A_306 = tpu.vector_load %arg9[%parallel_loop3A_304, %parallel_loop3A_305] {strides = array<i32>} : memref<304x128xf32, #tpu.memory_space<vmem>>, vector<16xf32>,
      tpu.vector_store %arg9[%parallel_loop3A_304, %parallel_loop3A_305], %parallel_loop3A_303 {strides = array<i32>} : memref<304x128xf32, #tpu.memory_space<vmem>>, vector<16xf32>,
      %parallel_loop3A_307 = arith.index_cast %parallel_loop3A_270 : i32 to index
      %parallel_loop3A_308 = arith.constant 96 : index
      %parallel_loop3A_309 = tpu.vector_load %arg6[%parallel_loop3A_307, %parallel_loop3A_308] {strides = array<i32>} : memref<117x128xf32, #tpu.memory_space<vmem>>, vector<16xf32>,
      %parallel_loop3A_310 = arith.index_cast %parallel_loop3A_264 : i32 to index
      %parallel_loop3A_311 = arith.constant 96 : index
      %parallel_loop3A_312 = tpu.vector_load %arg9[%parallel_loop3A_310, %parallel_loop3A_311] {strides = array<i32>} : memref<304x128xf32, #tpu.memory_space<vmem>>, vector<16xf32>,
      tpu.vector_store %arg9[%parallel_loop3A_310, %parallel_loop3A_311], %parallel_loop3A_309 {strides = array<i32>} : memref<304x128xf32, #tpu.memory_space<vmem>>, vector<16xf32>,
      %parallel_loop3A_313 = arith.index_cast %parallel_loop3A_270 : i32 to index
      %parallel_loop3A_314 = arith.constant 112 : index
      %parallel_loop3A_315 = tpu.vector_load %arg6[%parallel_loop3A_313, %parallel_loop3A_314] {strides = array<i32>} : memref<117x128xf32, #tpu.memory_space<vmem>>, vector<16xf32>,
      %parallel_loop3A_316 = arith.index_cast %parallel_loop3A_264 : i32 to index
      %parallel_loop3A_317 = arith.constant 112 : index
      %parallel_loop3A_318 = tpu.vector_load %arg9[%parallel_loop3A_316, %parallel_loop3A_317] {strides = array<i32>} : memref<304x128xf32, #tpu.memory_space<vmem>>, vector<16xf32>,
      tpu.vector_store %arg9[%parallel_loop3A_316, %parallel_loop3A_317], %parallel_loop3A_315 {strides = array<i32>} : memref<304x128xf32, #tpu.memory_space<vmem>>, vector<16xf32>,
    } {sc.loop_unroll_factor = 2 : i64, sc.parallel_access}
    %add3A_178 = arith.constant 256 : i32
    %add3A_179 = arith.addi %mul3A_2, %add3A_178 : i32
    %dma_start3A_180 = arith.constant 0 : i32
    %dma_start3A_181 = arith.constant 0 : i32
    %dma_start3A_182 = tpu.memref_slice %arg9[%dma_start3A_180, %dma_start3A_181] : memref<304x128xf32, #tpu.memory_space<vmem>> -> memref<296x128xf32, #tpu.memory_space<vmem>>
    %dma_start3A_183 = arith.constant 304 : i32
    %dma_start3A_184 = tpu.memref_slice %arg4[%dma_start3A_183, %add3A_179] : memref<600x16384xf32, #tpu.memory_space<hbm>> -> memref<296x128xf32, #tpu.memory_space<hbm>>
    %dma_start3A_185 = arith.constant 304 : i32
    %dma_start3A_186 = tpu.memref_slice %arg4[%dma_start3A_185, %add3A_179] : memref<600x16384xf32, #tpu.memory_space<hbm>> -> memref<296x128xf32, #tpu.memory_space<hbm>>
    %dma_start3A_187 = arith.constant 0 : i32
    %dma_start3A_188 = arith.constant 0 : i32
    %dma_start3A_189 = tpu.memref_slice %arg9[%dma_start3A_187, %dma_start3A_188] : memref<304x128xf32, #tpu.memory_space<vmem>> -> memref<296x128xf32, #tpu.memory_space<vmem>>
    tpu.enqueue_dma source(%dma_start3A_189 : memref<296x128xf32, #tpu.memory_space<vmem>>) target(%dma_start3A_186 : memref<296x128xf32, #tpu.memory_space<hbm>>) target_semaphore(%arg14 : memref<!tpu.dma_semaphore, #tpu.memory_space<semaphore_mem>>)
    %dma_wait3A_190 = arith.constant 0 : i32
    %dma_wait3A_191 = tpu.memref_slice %arg2[%dma_wait3A_190, %add3A_131] : memref<117x16384xf32, #tpu.memory_space<hbm>> -> memref<117x128xf32, #tpu.memory_space<hbm>>
    %dma_wait3A_192 = arith.constant 0 : i32
    %dma_wait3A_193 = tpu.memref_slice %arg2[%dma_wait3A_192, %add3A_131] : memref<117x16384xf32, #tpu.memory_space<hbm>> -> memref<117x128xf32, #tpu.memory_space<hbm>>
    tpu.wait_dma2 semaphore(%arg12 : memref<!tpu.dma_semaphore, #tpu.memory_space<semaphore_mem>>) src(%dma_wait3A_193 : memref<117x128xf32, #tpu.memory_space<hbm>>) dst(%arg7 : memref<117x128xf32, #tpu.memory_space<vmem>>)
    %dma_wait3A_194 = arith.constant 0 : i32
    %dma_wait3A_195 = arith.constant 0 : i32
    %dma_wait3A_196 = tpu.memref_slice %arg8[%dma_wait3A_194, %dma_wait3A_195] : memref<304x128xf32, #tpu.memory_space<vmem>> -> memref<304x128xf32, #tpu.memory_space<vmem>>
    %dma_wait3A_197 = arith.constant 0 : i32
    %dma_wait3A_198 = tpu.memref_slice %arg4[%dma_wait3A_197, %add3A_154] : memref<600x16384xf32, #tpu.memory_space<hbm>> -> memref<304x128xf32, #tpu.memory_space<hbm>>
    %dma_wait3A_199 = arith.constant 0 : i32
    %dma_wait3A_200 = tpu.memref_slice %arg4[%dma_wait3A_199, %add3A_154] : memref<600x16384xf32, #tpu.memory_space<hbm>> -> memref<304x128xf32, #tpu.memory_space<hbm>>
    %dma_wait3A_201 = arith.constant 0 : i32
    %dma_wait3A_202 = arith.constant 0 : i32
    %dma_wait3A_203 = tpu.memref_slice %arg8[%dma_wait3A_201, %dma_wait3A_202] : memref<304x128xf32, #tpu.memory_space<vmem>> -> memref<304x128xf32, #tpu.memory_space<vmem>>
    tpu.wait_dma2 semaphore(%arg13 : memref<!tpu.dma_semaphore, #tpu.memory_space<semaphore_mem>>) src(%dma_wait3A_203 : memref<304x128xf32, #tpu.memory_space<vmem>>) dst(%dma_wait3A_200 : memref<304x128xf32, #tpu.memory_space<hbm>>)
    %parallel_loop3A_204 = arith.constant 0 : i32
    %parallel_loop3A_205 = arith.constant 304 : i32
    %parallel_loop3A_206 = arith.constant 1 : i32
    scf.for %parallel_loop3A_264 = %parallel_loop3A_204 to %parallel_loop3A_205 step %parallel_loop3A_206  : i32 {
      %parallel_loop3A_265 = arith.constant 0 : i32
      %parallel_loop3A_266 = arith.addi %parallel_loop3A_265, %parallel_loop3A_264 : i32
      %parallel_loop3A_267 = arith.index_cast %parallel_loop3A_266 : i32 to index
      %parallel_loop3A_268 = tpu.vector_load %arg5[%parallel_loop3A_267] {strides = array<i32>} : memref<616xi32, #tpu.memory_space<vmem>>, vector<16xi32>,
      %parallel_loop3A_269 = vector.extract_strided_slice %parallel_loop3A_268 {offsets = [0], sizes = [1], strides = [1]} : vector<16xi32> to vector<1xi32>
      %parallel_loop3A_270 = vector.extract %parallel_loop3A_269[0] : i32 from vector<1xi32>
      %parallel_loop3A_271 = arith.index_cast %parallel_loop3A_270 : i32 to index
      %parallel_loop3A_272 = arith.constant 0 : index
      %parallel_loop3A_273 = tpu.vector_load %arg7[%parallel_loop3A_271, %parallel_loop3A_272] {strides = array<i32>} : memref<117x128xf32, #tpu.memory_space<vmem>>, vector<16xf32>,
      %parallel_loop3A_274 = arith.index_cast %parallel_loop3A_264 : i32 to index
      %parallel_loop3A_275 = arith.constant 0 : index
      %parallel_loop3A_276 = tpu.vector_load %arg8[%parallel_loop3A_274, %parallel_loop3A_275] {strides = array<i32>} : memref<304x128xf32, #tpu.memory_space<vmem>>, vector<16xf32>,
      tpu.vector_store %arg8[%parallel_loop3A_274, %parallel_loop3A_275], %parallel_loop3A_273 {strides = array<i32>} : memref<304x128xf32, #tpu.memory_space<vmem>>, vector<16xf32>,
      %parallel_loop3A_277 = arith.index_cast %parallel_loop3A_270 : i32 to index
      %parallel_loop3A_278 = arith.constant 16 : index
      %parallel_loop3A_279 = tpu.vector_load %arg7[%parallel_loop3A_277, %parallel_loop3A_278] {strides = array<i32>} : memref<117x128xf32, #tpu.memory_space<vmem>>, vector<16xf32>,
      %parallel_loop3A_280 = arith.index_cast %parallel_loop3A_264 : i32 to index
      %parallel_loop3A_281 = arith.constant 16 : index
      %parallel_loop3A_282 = tpu.vector_load %arg8[%parallel_loop3A_280, %parallel_loop3A_281] {strides = array<i32>} : memref<304x128xf32, #tpu.memory_space<vmem>>, vector<16xf32>,
      tpu.vector_store %arg8[%parallel_loop3A_280, %parallel_loop3A_281], %parallel_loop3A_279 {strides = array<i32>} : memref<304x128xf32, #tpu.memory_space<vmem>>, vector<16xf32>,
      %parallel_loop3A_283 = arith.index_cast %parallel_loop3A_270 : i32 to index
      %parallel_loop3A_284 = arith.constant 32 : index
      %parallel_loop3A_285 = tpu.vector_load %arg7[%parallel_loop3A_283, %parallel_loop3A_284] {strides = array<i32>} : memref<117x128xf32, #tpu.memory_space<vmem>>, vector<16xf32>,
      %parallel_loop3A_286 = arith.index_cast %parallel_loop3A_264 : i32 to index
      %parallel_loop3A_287 = arith.constant 32 : index
      %parallel_loop3A_288 = tpu.vector_load %arg8[%parallel_loop3A_286, %parallel_loop3A_287] {strides = array<i32>} : memref<304x128xf32, #tpu.memory_space<vmem>>, vector<16xf32>,
      tpu.vector_store %arg8[%parallel_loop3A_286, %parallel_loop3A_287], %parallel_loop3A_285 {strides = array<i32>} : memref<304x128xf32, #tpu.memory_space<vmem>>, vector<16xf32>,
      %parallel_loop3A_289 = arith.index_cast %parallel_loop3A_270 : i32 to index
      %parallel_loop3A_290 = arith.constant 48 : index
      %parallel_loop3A_291 = tpu.vector_load %arg7[%parallel_loop3A_289, %parallel_loop3A_290] {strides = array<i32>} : memref<117x128xf32, #tpu.memory_space<vmem>>, vector<16xf32>,
      %parallel_loop3A_292 = arith.index_cast %parallel_loop3A_264 : i32 to index
      %parallel_loop3A_293 = arith.constant 48 : index
      %parallel_loop3A_294 = tpu.vector_load %arg8[%parallel_loop3A_292, %parallel_loop3A_293] {strides = array<i32>} : memref<304x128xf32, #tpu.memory_space<vmem>>, vector<16xf32>,
      tpu.vector_store %arg8[%parallel_loop3A_292, %parallel_loop3A_293], %parallel_loop3A_291 {strides = array<i32>} : memref<304x128xf32, #tpu.memory_space<vmem>>, vector<16xf32>,
      %parallel_loop3A_295 = arith.index_cast %parallel_loop3A_270 : i32 to index
      %parallel_loop3A_296 = arith.constant 64 : index
      %parallel_loop3A_297 = tpu.vector_load %arg7[%parallel_loop3A_295, %parallel_loop3A_296] {strides = array<i32>} : memref<117x128xf32, #tpu.memory_space<vmem>>, vector<16xf32>,
      %parallel_loop3A_298 = arith.index_cast %parallel_loop3A_264 : i32 to index
      %parallel_loop3A_299 = arith.constant 64 : index
      %parallel_loop3A_300 = tpu.vector_load %arg8[%parallel_loop3A_298, %parallel_loop3A_299] {strides = array<i32>} : memref<304x128xf32, #tpu.memory_space<vmem>>, vector<16xf32>,
      tpu.vector_store %arg8[%parallel_loop3A_298, %parallel_loop3A_299], %parallel_loop3A_297 {strides = array<i32>} : memref<304x128xf32, #tpu.memory_space<vmem>>, vector<16xf32>,
      %parallel_loop3A_301 = arith.index_cast %parallel_loop3A_270 : i32 to index
      %parallel_loop3A_302 = arith.constant 80 : index
      %parallel_loop3A_303 = tpu.vector_load %arg7[%parallel_loop3A_301, %parallel_loop3A_302] {strides = array<i32>} : memref<117x128xf32, #tpu.memory_space<vmem>>, vector<16xf32>,
      %parallel_loop3A_304 = arith.index_cast %parallel_loop3A_264 : i32 to index
      %parallel_loop3A_305 = arith.constant 80 : index
      %parallel_loop3A_306 = tpu.vector_load %arg8[%parallel_loop3A_304, %parallel_loop3A_305] {strides = array<i32>} : memref<304x128xf32, #tpu.memory_space<vmem>>, vector<16xf32>,
      tpu.vector_store %arg8[%parallel_loop3A_304, %parallel_loop3A_305], %parallel_loop3A_303 {strides = array<i32>} : memref<304x128xf32, #tpu.memory_space<vmem>>, vector<16xf32>,
      %parallel_loop3A_307 = arith.index_cast %parallel_loop3A_270 : i32 to index
      %parallel_loop3A_308 = arith.constant 96 : index
      %parallel_loop3A_309 = tpu.vector_load %arg7[%parallel_loop3A_307, %parallel_loop3A_308] {strides = array<i32>} : memref<117x128xf32, #tpu.memory_space<vmem>>, vector<16xf32>,
      %parallel_loop3A_310 = arith.index_cast %parallel_loop3A_264 : i32 to index
      %parallel_loop3A_311 = arith.constant 96 : index
      %parallel_loop3A_312 = tpu.vector_load %arg8[%parallel_loop3A_310, %parallel_loop3A_311] {strides = array<i32>} : memref<304x128xf32, #tpu.memory_space<vmem>>, vector<16xf32>,
      tpu.vector_store %arg8[%parallel_loop3A_310, %parallel_loop3A_311], %parallel_loop3A_309 {strides = array<i32>} : memref<304x128xf32, #tpu.memory_space<vmem>>, vector<16xf32>,
      %parallel_loop3A_313 = arith.index_cast %parallel_loop3A_270 : i32 to index
      %parallel_loop3A_314 = arith.constant 112 : index
      %parallel_loop3A_315 = tpu.vector_load %arg7[%parallel_loop3A_313, %parallel_loop3A_314] {strides = array<i32>} : memref<117x128xf32, #tpu.memory_space<vmem>>, vector<16xf32>,
      %parallel_loop3A_316 = arith.index_cast %parallel_loop3A_264 : i32 to index
      %parallel_loop3A_317 = arith.constant 112 : index
      %parallel_loop3A_318 = tpu.vector_load %arg8[%parallel_loop3A_316, %parallel_loop3A_317] {strides = array<i32>} : memref<304x128xf32, #tpu.memory_space<vmem>>, vector<16xf32>,
      tpu.vector_store %arg8[%parallel_loop3A_316, %parallel_loop3A_317], %parallel_loop3A_315 {strides = array<i32>} : memref<304x128xf32, #tpu.memory_space<vmem>>, vector<16xf32>,
    } {sc.loop_unroll_factor = 2 : i64, sc.parallel_access}
    %add3A_207 = arith.constant 384 : i32
    %add3A_208 = arith.addi %mul3A_2, %add3A_207 : i32
    %dma_start3A_209 = arith.constant 0 : i32
    %dma_start3A_210 = arith.constant 0 : i32
    %dma_start3A_211 = tpu.memref_slice %arg8[%dma_start3A_209, %dma_start3A_210] : memref<304x128xf32, #tpu.memory_space<vmem>> -> memref<304x128xf32, #tpu.memory_space<vmem>>
    %dma_start3A_212 = arith.constant 0 : i32
    %dma_start3A_213 = tpu.memref_slice %arg4[%dma_start3A_212, %add3A_208] : memref<600x16384xf32, #tpu.memory_space<hbm>> -> memref<304x128xf32, #tpu.memory_space<hbm>>
    %dma_start3A_214 = arith.constant 0 : i32
    %dma_start3A_215 = tpu.memref_slice %arg4[%dma_start3A_214, %add3A_208] : memref<600x16384xf32, #tpu.memory_space<hbm>> -> memref<304x128xf32, #tpu.memory_space<hbm>>
    %dma_start3A_216 = arith.constant 0 : i32
    %dma_start3A_217 = arith.constant 0 : i32
    %dma_start3A_218 = tpu.memref_slice %arg8[%dma_start3A_216, %dma_start3A_217] : memref<304x128xf32, #tpu.memory_space<vmem>> -> memref<304x128xf32, #tpu.memory_space<vmem>>
    tpu.enqueue_dma source(%dma_start3A_218 : memref<304x128xf32, #tpu.memory_space<vmem>>) target(%dma_start3A_215 : memref<304x128xf32, #tpu.memory_space<hbm>>) target_semaphore(%arg13 : memref<!tpu.dma_semaphore, #tpu.memory_space<semaphore_mem>>)
    %dma_wait3A_219 = arith.constant 0 : i32
    %dma_wait3A_220 = arith.constant 0 : i32
    %dma_wait3A_221 = tpu.memref_slice %arg9[%dma_wait3A_219, %dma_wait3A_220] : memref<304x128xf32, #tpu.memory_space<vmem>> -> memref<296x128xf32, #tpu.memory_space<vmem>>
    %dma_wait3A_222 = arith.constant 304 : i32
    %dma_wait3A_223 = tpu.memref_slice %arg4[%dma_wait3A_222, %add3A_179] : memref<600x16384xf32, #tpu.memory_space<hbm>> -> memref<296x128xf32, #tpu.memory_space<hbm>>
    %dma_wait3A_224 = arith.constant 304 : i32
    %dma_wait3A_225 = tpu.memref_slice %arg4[%dma_wait3A_224, %add3A_179] : memref<600x16384xf32, #tpu.memory_space<hbm>> -> memref<296x128xf32, #tpu.memory_space<hbm>>
    %dma_wait3A_226 = arith.constant 0 : i32
    %dma_wait3A_227 = arith.constant 0 : i32
    %dma_wait3A_228 = tpu.memref_slice %arg9[%dma_wait3A_226, %dma_wait3A_227] : memref<304x128xf32, #tpu.memory_space<vmem>> -> memref<296x128xf32, #tpu.memory_space<vmem>>
    tpu.wait_dma2 semaphore(%arg14 : memref<!tpu.dma_semaphore, #tpu.memory_space<semaphore_mem>>) src(%dma_wait3A_228 : memref<296x128xf32, #tpu.memory_space<vmem>>) dst(%dma_wait3A_225 : memref<296x128xf32, #tpu.memory_space<hbm>>)
    %parallel_loop3A_229 = arith.constant 0 : i32
    %parallel_loop3A_230 = arith.constant 296 : i32
    %parallel_loop3A_231 = arith.constant 1 : i32
    scf.for %parallel_loop3A_264 = %parallel_loop3A_229 to %parallel_loop3A_230 step %parallel_loop3A_231  : i32 {
      %parallel_loop3A_265 = arith.constant 304 : i32
      %parallel_loop3A_266 = arith.addi %parallel_loop3A_265, %parallel_loop3A_264 : i32
      %parallel_loop3A_267 = arith.index_cast %parallel_loop3A_266 : i32 to index
      %parallel_loop3A_268 = tpu.vector_load %arg5[%parallel_loop3A_267] {strides = array<i32>} : memref<616xi32, #tpu.memory_space<vmem>>, vector<16xi32>,
      %parallel_loop3A_269 = vector.extract_strided_slice %parallel_loop3A_268 {offsets = [0], sizes = [1], strides = [1]} : vector<16xi32> to vector<1xi32>
      %parallel_loop3A_270 = vector.extract %parallel_loop3A_269[0] : i32 from vector<1xi32>
      %parallel_loop3A_271 = arith.index_cast %parallel_loop3A_270 : i32 to index
      %parallel_loop3A_272 = arith.constant 0 : index
      %parallel_loop3A_273 = tpu.vector_load %arg7[%parallel_loop3A_271, %parallel_loop3A_272] {strides = array<i32>} : memref<117x128xf32, #tpu.memory_space<vmem>>, vector<16xf32>,
      %parallel_loop3A_274 = arith.index_cast %parallel_loop3A_264 : i32 to index
      %parallel_loop3A_275 = arith.constant 0 : index
      %parallel_loop3A_276 = tpu.vector_load %arg9[%parallel_loop3A_274, %parallel_loop3A_275] {strides = array<i32>} : memref<304x128xf32, #tpu.memory_space<vmem>>, vector<16xf32>,
      tpu.vector_store %arg9[%parallel_loop3A_274, %parallel_loop3A_275], %parallel_loop3A_273 {strides = array<i32>} : memref<304x128xf32, #tpu.memory_space<vmem>>, vector<16xf32>,
      %parallel_loop3A_277 = arith.index_cast %parallel_loop3A_270 : i32 to index
      %parallel_loop3A_278 = arith.constant 16 : index
      %parallel_loop3A_279 = tpu.vector_load %arg7[%parallel_loop3A_277, %parallel_loop3A_278] {strides = array<i32>} : memref<117x128xf32, #tpu.memory_space<vmem>>, vector<16xf32>,
      %parallel_loop3A_280 = arith.index_cast %parallel_loop3A_264 : i32 to index
      %parallel_loop3A_281 = arith.constant 16 : index
      %parallel_loop3A_282 = tpu.vector_load %arg9[%parallel_loop3A_280, %parallel_loop3A_281] {strides = array<i32>} : memref<304x128xf32, #tpu.memory_space<vmem>>, vector<16xf32>,
      tpu.vector_store %arg9[%parallel_loop3A_280, %parallel_loop3A_281], %parallel_loop3A_279 {strides = array<i32>} : memref<304x128xf32, #tpu.memory_space<vmem>>, vector<16xf32>,
      %parallel_loop3A_283 = arith.index_cast %parallel_loop3A_270 : i32 to index
      %parallel_loop3A_284 = arith.constant 32 : index
      %parallel_loop3A_285 = tpu.vector_load %arg7[%parallel_loop3A_283, %parallel_loop3A_284] {strides = array<i32>} : memref<117x128xf32, #tpu.memory_space<vmem>>, vector<16xf32>,
      %parallel_loop3A_286 = arith.index_cast %parallel_loop3A_264 : i32 to index
      %parallel_loop3A_287 = arith.constant 32 : index
      %parallel_loop3A_288 = tpu.vector_load %arg9[%parallel_loop3A_286, %parallel_loop3A_287] {strides = array<i32>} : memref<304x128xf32, #tpu.memory_space<vmem>>, vector<16xf32>,
      tpu.vector_store %arg9[%parallel_loop3A_286, %parallel_loop3A_287], %parallel_loop3A_285 {strides = array<i32>} : memref<304x128xf32, #tpu.memory_space<vmem>>, vector<16xf32>,
      %parallel_loop3A_289 = arith.index_cast %parallel_loop3A_270 : i32 to index
      %parallel_loop3A_290 = arith.constant 48 : index
      %parallel_loop3A_291 = tpu.vector_load %arg7[%parallel_loop3A_289, %parallel_loop3A_290] {strides = array<i32>} : memref<117x128xf32, #tpu.memory_space<vmem>>, vector<16xf32>,
      %parallel_loop3A_292 = arith.index_cast %parallel_loop3A_264 : i32 to index
      %parallel_loop3A_293 = arith.constant 48 : index
      %parallel_loop3A_294 = tpu.vector_load %arg9[%parallel_loop3A_292, %parallel_loop3A_293] {strides = array<i32>} : memref<304x128xf32, #tpu.memory_space<vmem>>, vector<16xf32>,
      tpu.vector_store %arg9[%parallel_loop3A_292, %parallel_loop3A_293], %parallel_loop3A_291 {strides = array<i32>} : memref<304x128xf32, #tpu.memory_space<vmem>>, vector<16xf32>,
      %parallel_loop3A_295 = arith.index_cast %parallel_loop3A_270 : i32 to index
      %parallel_loop3A_296 = arith.constant 64 : index
      %parallel_loop3A_297 = tpu.vector_load %arg7[%parallel_loop3A_295, %parallel_loop3A_296] {strides = array<i32>} : memref<117x128xf32, #tpu.memory_space<vmem>>, vector<16xf32>,
      %parallel_loop3A_298 = arith.index_cast %parallel_loop3A_264 : i32 to index
      %parallel_loop3A_299 = arith.constant 64 : index
      %parallel_loop3A_300 = tpu.vector_load %arg9[%parallel_loop3A_298, %parallel_loop3A_299] {strides = array<i32>} : memref<304x128xf32, #tpu.memory_space<vmem>>, vector<16xf32>,
      tpu.vector_store %arg9[%parallel_loop3A_298, %parallel_loop3A_299], %parallel_loop3A_297 {strides = array<i32>} : memref<304x128xf32, #tpu.memory_space<vmem>>, vector<16xf32>,
      %parallel_loop3A_301 = arith.index_cast %parallel_loop3A_270 : i32 to index
      %parallel_loop3A_302 = arith.constant 80 : index
      %parallel_loop3A_303 = tpu.vector_load %arg7[%parallel_loop3A_301, %parallel_loop3A_302] {strides = array<i32>} : memref<117x128xf32, #tpu.memory_space<vmem>>, vector<16xf32>,
      %parallel_loop3A_304 = arith.index_cast %parallel_loop3A_264 : i32 to index
      %parallel_loop3A_305 = arith.constant 80 : index
      %parallel_loop3A_306 = tpu.vector_load %arg9[%parallel_loop3A_304, %parallel_loop3A_305] {strides = array<i32>} : memref<304x128xf32, #tpu.memory_space<vmem>>, vector<16xf32>,
      tpu.vector_store %arg9[%parallel_loop3A_304, %parallel_loop3A_305], %parallel_loop3A_303 {strides = array<i32>} : memref<304x128xf32, #tpu.memory_space<vmem>>, vector<16xf32>,
      %parallel_loop3A_307 = arith.index_cast %parallel_loop3A_270 : i32 to index
      %parallel_loop3A_308 = arith.constant 96 : index
      %parallel_loop3A_309 = tpu.vector_load %arg7[%parallel_loop3A_307, %parallel_loop3A_308] {strides = array<i32>} : memref<117x128xf32, #tpu.memory_space<vmem>>, vector<16xf32>,
      %parallel_loop3A_310 = arith.index_cast %parallel_loop3A_264 : i32 to index
      %parallel_loop3A_311 = arith.constant 96 : index
      %parallel_loop3A_312 = tpu.vector_load %arg9[%parallel_loop3A_310, %parallel_loop3A_311] {strides = array<i32>} : memref<304x128xf32, #tpu.memory_space<vmem>>, vector<16xf32>,
      tpu.vector_store %arg9[%parallel_loop3A_310, %parallel_loop3A_311], %parallel_loop3A_309 {strides = array<i32>} : memref<304x128xf32, #tpu.memory_space<vmem>>, vector<16xf32>,
      %parallel_loop3A_313 = arith.index_cast %parallel_loop3A_270 : i32 to index
      %parallel_loop3A_314 = arith.constant 112 : index
      %parallel_loop3A_315 = tpu.vector_load %arg7[%parallel_loop3A_313, %parallel_loop3A_314] {strides = array<i32>} : memref<117x128xf32, #tpu.memory_space<vmem>>, vector<16xf32>,
      %parallel_loop3A_316 = arith.index_cast %parallel_loop3A_264 : i32 to index
      %parallel_loop3A_317 = arith.constant 112 : index
      %parallel_loop3A_318 = tpu.vector_load %arg9[%parallel_loop3A_316, %parallel_loop3A_317] {strides = array<i32>} : memref<304x128xf32, #tpu.memory_space<vmem>>, vector<16xf32>,
      tpu.vector_store %arg9[%parallel_loop3A_316, %parallel_loop3A_317], %parallel_loop3A_315 {strides = array<i32>} : memref<304x128xf32, #tpu.memory_space<vmem>>, vector<16xf32>,
    } {sc.loop_unroll_factor = 2 : i64, sc.parallel_access}
    %add3A_232 = arith.constant 384 : i32
    %add3A_233 = arith.addi %mul3A_2, %add3A_232 : i32
    %dma_start3A_234 = arith.constant 0 : i32
    %dma_start3A_235 = arith.constant 0 : i32
    %dma_start3A_236 = tpu.memref_slice %arg9[%dma_start3A_234, %dma_start3A_235] : memref<304x128xf32, #tpu.memory_space<vmem>> -> memref<296x128xf32, #tpu.memory_space<vmem>>
    %dma_start3A_237 = arith.constant 304 : i32
    %dma_start3A_238 = tpu.memref_slice %arg4[%dma_start3A_237, %add3A_233] : memref<600x16384xf32, #tpu.memory_space<hbm>> -> memref<296x128xf32, #tpu.memory_space<hbm>>
    %dma_start3A_239 = arith.constant 304 : i32
    %dma_start3A_240 = tpu.memref_slice %arg4[%dma_start3A_239, %add3A_233] : memref<600x16384xf32, #tpu.memory_space<hbm>> -> memref<296x128xf32, #tpu.memory_space<hbm>>
    %dma_start3A_241 = arith.constant 0 : i32
    %dma_start3A_242 = arith.constant 0 : i32
    %dma_start3A_243 = tpu.memref_slice %arg9[%dma_start3A_241, %dma_start3A_242] : memref<304x128xf32, #tpu.memory_space<vmem>> -> memref<296x128xf32, #tpu.memory_space<vmem>>
    tpu.enqueue_dma source(%dma_start3A_243 : memref<296x128xf32, #tpu.memory_space<vmem>>) target(%dma_start3A_240 : memref<296x128xf32, #tpu.memory_space<hbm>>) target_semaphore(%arg14 : memref<!tpu.dma_semaphore, #tpu.memory_space<semaphore_mem>>)
    %dma_wait3A_244 = arith.constant 0 : i32
    %dma_wait3A_245 = arith.constant 0 : i32
    %dma_wait3A_246 = tpu.memref_slice %arg8[%dma_wait3A_244, %dma_wait3A_245] : memref<304x128xf32, #tpu.memory_space<vmem>> -> memref<304x128xf32, #tpu.memory_space<vmem>>
    %dma_wait3A_247 = arith.constant 0 : i32
    %dma_wait3A_248 = tpu.memref_slice %arg4[%dma_wait3A_247, %add3A_208] : memref<600x16384xf32, #tpu.memory_space<hbm>> -> memref<304x128xf32, #tpu.memory_space<hbm>>
    %dma_wait3A_249 = arith.constant 0 : i32
    %dma_wait3A_250 = tpu.memref_slice %arg4[%dma_wait3A_249, %add3A_208] : memref<600x16384xf32, #tpu.memory_space<hbm>> -> memref<304x128xf32, #tpu.memory_space<hbm>>
    %dma_wait3A_251 = arith.constant 0 : i32
    %dma_wait3A_252 = arith.constant 0 : i32
    %dma_wait3A_253 = tpu.memref_slice %arg8[%dma_wait3A_251, %dma_wait3A_252] : memref<304x128xf32, #tpu.memory_space<vmem>> -> memref<304x128xf32, #tpu.memory_space<vmem>>
    tpu.wait_dma2 semaphore(%arg13 : memref<!tpu.dma_semaphore, #tpu.memory_space<semaphore_mem>>) src(%dma_wait3A_253 : memref<304x128xf32, #tpu.memory_space<vmem>>) dst(%dma_wait3A_250 : memref<304x128xf32, #tpu.memory_space<hbm>>)
    %dma_wait3A_254 = arith.constant 0 : i32
    %dma_wait3A_255 = arith.constant 0 : i32
    %dma_wait3A_256 = tpu.memref_slice %arg9[%dma_wait3A_254, %dma_wait3A_255] : memref<304x128xf32, #tpu.memory_space<vmem>> -> memref<296x128xf32, #tpu.memory_space<vmem>>
    %dma_wait3A_257 = arith.constant 304 : i32
    %dma_wait3A_258 = tpu.memref_slice %arg4[%dma_wait3A_257, %add3A_233] : memref<600x16384xf32, #tpu.memory_space<hbm>> -> memref<296x128xf32, #tpu.memory_space<hbm>>
    %dma_wait3A_259 = arith.constant 304 : i32
    %dma_wait3A_260 = tpu.memref_slice %arg4[%dma_wait3A_259, %add3A_233] : memref<600x16384xf32, #tpu.memory_space<hbm>> -> memref<296x128xf32, #tpu.memory_space<hbm>>
    %dma_wait3A_261 = arith.constant 0 : i32
    %dma_wait3A_262 = arith.constant 0 : i32
    %dma_wait3A_263 = tpu.memref_slice %arg9[%dma_wait3A_261, %dma_wait3A_262] : memref<304x128xf32, #tpu.memory_space<vmem>> -> memref<296x128xf32, #tpu.memory_space<vmem>>
    tpu.wait_dma2 semaphore(%arg14 : memref<!tpu.dma_semaphore, #tpu.memory_space<semaphore_mem>>) src(%dma_wait3A_263 : memref<296x128xf32, #tpu.memory_space<vmem>>) dst(%dma_wait3A_260 : memref<296x128xf32, #tpu.memory_space<hbm>>)
    return
  }
}

</mosaic_0001>

<sc_bundles>
// kernel: kernel.3.cloned.1.call-start
scs
__scs_entry_jumppad:
0x0: {  	(pc) =	sbr.rel $0x88, $3  }
0x1: {  	(tag) =	ssettag $0x0;
	lr =	simm.s32 $0x1  }
0x2: {  	[smem:$0x3F9F] =	sst lr;
	_ =	strace $0xD0000000  }
0x3: {  	_ = 	snop  }
0x4: {  	_ = 	snop  }
0x5: {  	_ = 	snop  }
0x6: {  	_ = 	snop  }
0x7: {  	_ = 	snop  }
__scs_overlays_trampoline_lowered:
0x8: {  	[smem:$0x3FAE] =	sst s0  }
0x9: {  	[smem:$0x3FAF] =	sst s1  }
0xa: {  	[smem:$0x3FB0] =	sst s2  }
0xb: {  	[smem:$0x3FB1] =	sst s3  }
0xc: {  	[smem:$0x3FB2] =	sst s4  }
0xd: {  	[smem:$0x3FB3] =	sst s5  }
0xe: {  	[smem:$0x3FB4] =	sst s6  }
0xf: {  	[smem:$0x3FB5] =	sst s7  }
0x10: {  	[smem:$0x3FB6] =	sst s8  }
0x11: {  	[smem:$0x3FB7] =	sst s9;
	s0 =	simm.s32 @!p0 $0x0  }
0x12: {  	s1 =	sld [smem:$0x3F9D];
	s0 =	simm.s32 @p0 $0x1  }
0x13: {  	[smem:$0x3FB8] =	sst s0;
	s0 =	simm.s32 @!p1 $0x0  }
0x14: {  	s2 =	sld [smem:$0x3F9C];
	s0 =	simm.s32 @p1 $0x1  }
0x15: {  	[smem:$0x3FB9] =	sst s0;
	s0 =	simm.s32 @!p2 $0x0  }
0x16: {  	s3 =	sld [smem:$0x3FDB];
	s0 =	simm.s32 @p2 $0x1  }
0x17: {  	s4 =	simm.s32 $0x1BF5;
	[smem:$0x3FBB] =	sst s0  }
0x18: {  	s0 =	sld [smem:$0x3F9E];
	_ =	swait.ge [sflag:s4], $0x0  }
0x19: {  	s7 =	sld [smem:$0x3F9F]  }
0x1a: {  	s8 =	sadd.s32 $0xFFFFE003, lr  }
0x1b: {  	s9 =	sadd.s32 $0xFFFFFEF7, lr;
	s5 =	simm.s32 $0xFFFFFFFF;
	p2 =	slt.u32 s8, $0xFFFFF086  }
0x1c: {  	p1 =	slt.u32 s9, $0xF7A;
	s5 =	simm.s32 @!p2 $0x0  }
0x1d: {  	s5 =	simm.s32 @p1 $0x1;
	p0 =	seq.s32 s7, s2  }
0x1e: {  	s7 =	smul.u32 @!p0 $0xF7A, s2;
	p2 =	seq.s32 @!p0 s5, $0x0  }
0x1f: {  	s9 =	smul.u32 $0xF7A, s1;
	s8 =	simm.s32 @!p0 $0x1BF5;
	p2 =	por !p2, p0  }
0x20: {  	[sflag:s8] =	ssyncset.s32 @!p0 $0xFFFFF086;
	s6 =	sadd.s32 @!p0 s3, s7;
	s7 =	simm.s32 @!p0 $0x108  }
0x21: {  	s3 =	sadd.s32 s3, s9;
	s6 =	sadd.s32 @!p0 $0x88, s6;
	s7 =	simm.s32 @p2 $0x1082  }
0x22: {  	[simem:s7], [sflag:s8] =	dma.local @!p0 [hbm:s6], $0xF7A  }
0x23: {  	s9 =	sor.u32 $0xD0000000, s2;
	s6 =	simm.s32 $0x108;
	_ =	swait.ge @!p0 [sflag:s8], $0x0  }
0x24: {  	s3 =	sadd.s32 $0x88, s3;
	s6 =	simm.s32 @!p1 $0x1082;
	[sflag:s4] =	ssyncset.s32 $0xFFFFF086  }
0x25: {  	[simem:s6], [sflag:s4] =	dma.local [hbm:s3], $0xF7A  }
0x26: {  	[smem:$0x3F9F] =	sst s1;
	(tag) =	ssettag s2;
	_ =	strace s9  }
0x27: {  	s1 =	sld [smem:$0x3FAF]  }
0x28: {  	s2 =	sld [smem:$0x3FB0]  }
0x29: {  	s4 =	sld [smem:$0x3FB2]  }
0x2a: {  	p0 =	seq.s32 s5, $0x0;
	s5 =	sld [smem:$0x3FB3]  }
0x2b: {  	s6 =	sld [smem:$0x3FB4]  }
0x2c: {  	s7 =	sld [smem:$0x3FB5]  }
0x2d: {  	s3 =	simm.s32 $0x108;
	s8 =	sld [smem:$0x3FB6]  }
0x2e: {  	s3 =	simm.s32 @!p0 $0x1082;
	s9 =	sld [smem:$0x3FB7]  }
0x2f: {  	lr =	sadd.s32 s0, s3;
	s0 =	sld [smem:$0x3FAE]  }
0x30: {  	s3 =	sld [smem:$0x3FB1]  }
0x31: {  	[smem:$0x3FBA] =	sst s10  }
0x32: {  	s10 =	sld [smem:$0x3FB8];
	_ =	sdelay $0x3  }
0x33: {  	p0 =	seq.s32 s10, $0x1;
	s10 =	sld [smem:$0x3FBA];
	_ =	sdelay $0x3  }
0x34: {  	[smem:$0x3FBA] =	sst s10  }
0x35: {  	s10 =	sld [smem:$0x3FB9];
	_ =	sdelay $0x3  }
0x36: {  	p1 =	seq.s32 s10, $0x1;
	s10 =	sld [smem:$0x3FBA];
	_ =	sdelay $0x3  }
0x37: {  	[smem:$0x3FBA] =	sst s10  }
0x38: {  	s10 =	sld [smem:$0x3FBB]  }
0x39: {  	_ = 	snop;
	(pc) =	sbr.ind lr, $3  }
0x3a: {  	_ = 	snop  }
0x3b: {  	_ = 	snop  }
0x3c: {  	p2 =	seq.s32 s10, $0x1;
	s10 =	sld [smem:$0x3FBA]  }
0x3d: {  	_ =	shalt  }
0x3e: {  	_ =	shalt  }
0x3f: {  	_ =	shalt  }
0x40: {  	_ =	shalt  }
0x41: {  	_ =	shalt  }
0x42: {  	_ =	shalt  }
0x43: {  	_ =	shalt  }
0x44: {  	_ =	shalt  }
0x45: {  	_ =	shalt  }
0x46: {  	_ =	shalt  }
0x47: {  	_ =	shalt  }
0x48: {  	_ =	shalt  }
0x49: {  	_ =	shalt  }
0x4a: {  	_ =	shalt  }
0x4b: {  	_ =	shalt  }
0x4c: {  	_ =	shalt  }
0x4d: {  	_ =	shalt  }
0x4e: {  	_ =	shalt  }
0x4f: {  	_ =	shalt  }
0x50: {  	_ =	shalt  }
0x51: {  	_ =	shalt  }
0x52: {  	_ =	shalt  }
0x53: {  	_ =	shalt  }
0x54: {  	_ =	shalt  }
0x55: {  	_ =	shalt  }
0x56: {  	_ =	shalt  }
0x57: {  	_ =	shalt  }
0x58: {  	_ =	shalt  }
0x59: {  	_ =	shalt  }
0x5a: {  	_ =	shalt  }
0x5b: {  	_ =	shalt  }
0x5c: {  	_ =	shalt  }
0x5d: {  	_ =	shalt  }
0x5e: {  	_ =	shalt  }
0x5f: {  	_ =	shalt  }
0x60: {  	_ =	shalt  }
0x61: {  	_ =	shalt  }
0x62: {  	_ =	shalt  }
0x63: {  	_ =	shalt  }
0x64: {  	_ =	shalt  }
0x65: {  	_ =	shalt  }
0x66: {  	_ =	shalt  }
0x67: {  	_ =	shalt  }
0x68: {  	_ =	shalt  }
0x69: {  	_ =	shalt  }
0x6a: {  	_ =	shalt  }
0x6b: {  	_ =	shalt  }
0x6c: {  	_ =	shalt  }
0x6d: {  	_ =	shalt  }
0x6e: {  	_ =	shalt  }
0x6f: {  	_ =	shalt  }
0x70: {  	_ =	shalt  }
0x71: {  	_ =	shalt  }
0x72: {  	_ =	shalt  }
0x73: {  	_ =	shalt  }
0x74: {  	_ =	shalt  }
0x75: {  	_ =	shalt  }
0x76: {  	_ =	shalt  }
0x77: {  	_ =	shalt  }
0x78: {  	_ =	shalt  }
0x79: {  	_ =	shalt  }
0x7a: {  	_ =	shalt  }
0x7b: {  	_ =	shalt  }
0x7c: {  	_ =	shalt  }
0x7d: {  	_ =	shalt  }
0x7e: {  	_ =	shalt  }
0x7f: {  	_ =	shalt  }
0x80: {  	_ =	shalt  }
0x81: {  	_ =	shalt  }
0x82: {  	_ =	shalt  }
0x83: {  	_ =	shalt  }
0x84: {  	_ =	shalt  }
0x85: {  	_ =	shalt  }
0x86: {  	_ =	shalt  }
0x87: {  	_ =	shalt  }
.Lfunc_end0:
.L_simem_size_0:
called_computation_lowered:
.L_overlay_start_0:
0x88: {  	s2 =	sld [smem:$0x3FD9]  }
0x89: {  	s3 =	sld [smem:$0x3FFE];
	_ =	sdelay $0x1  }
0x8a: {  	s1 =	srdreg.scid  }
0x8b: {  	s0 =	sand.u32 $0x1, s1  }
0x8c: {  	s18 =	sshll.u32 s0, $0xA;
	s2 =	sadd.s32 s3, s2  }
0x8d: {  	s2 =	sadd.s32 s2, s18  }
0x8e: {  	[smem:$0x3FC6] =	sst s2  }
0x8f: {  	_ = 	snop  }
0x90: {  	s2 =	sld [smem:$0x3FC9]  }
0x91: {  	s19 =	sld [smem:$0x3FC8]  }
0x92: {  	s4 =	sld [smem:$0x3FD0];
	(tm) =	ssettm $0x1  }
0x93: {  	s5 =	sld [smem:$0x3FFB];
	_ =	sdelay $0x3  }
0x94: {  	_ =	strace s5  }
0x95: {  	s5 =	sld [smem:$0x3FFC];
	_ =	sdelay $0x3  }
0x96: {  	_ =	strace s5  }
0x97: {  	s5 =	sld [smem:$0x3FFD];
	_ =	sdelay $0x3  }
0x98: {  	_ =	strace s5  }
0x99: {  	_ =	strace $0x8FFFFFFF  }
0x9a: {  	s20 =	sld [smem:$0x3FDB];
	_ =	sdelay $0x1  }
0x9b: {  	s6 =	simm.s32 $_scs_section_size  }
0x9c: {  	s7 =	simm.s32 $_size__tile_overlayer_lowered;
	s8 =	simm.s32 $_tile_overlayer_lowered  }
0x9d: {  	s23 =	simm.s32 $0x1BFF;
	s22 =	sshll.u32 s8, $0x1;
	s5 =	sadd.s32 s6, s20  }
0x9e: {  	s9 =	simm.s32 $0x0;
	s21 =	sshll.u32 s7, $0x1;
	s7 =	sadd.s32 s22, s5  }
0x9f: {  	[timem:s9], [sflag:s23] =	dma.local [hbm:s7], s21  }
0xa0: {  	_ =	swait.ge [sflag:s23], s21  }
0xa1: {  	s6 =	ssub.s32 $0x0, s21;
	[sflag:s23] =	ssyncset.done $0x0  }
0xa2: {  	[sflag:s23] =	ssyncadd.s32 s6;
	_ =	sdelay $0x1  }
0xa3: {  	s24 =	simm.s32 $0x1B8B  }
0xa4: {  	_ =	swait.ge [sflag:s24], $0x1  }
0xa5: {  	[sflag:s24] =	ssyncset.done $0x0  }
0xa6: {  	s25 =	simm.s32 $0x1B8E;
	[sflag:s24] =	ssyncadd.s32 $0xFFFFFFFF  }
0xa7: {  	s26 =	simm.s32 $execute0_lowered;
	[smem:$0x3FD2] =	sst s25  }
0xa8: {  	s6 =	sshll.u32 s26, $0x1;
	_ =	strace $0x80000046;
	[dreg:$0x1] =	wrdreg $0xFFFFFFFF  }
0xa9: {  	s28 =	simm.s32 $_size_execute0_lowered;
	s5 =	sadd.s32 s5, s6;
	[dreg:$0x0] =	wrdreg $0x0  }
0xaa: {  	s6 =	sshll.u32 s28, $0x1;
	[dreg:$0x2] =	wrdreg s5  }
0xab: {  	[dreg:$0x3] =	wrdreg s6  }
0xac: {  	[dreg:$0x4] =	wrdreg $0xC0  }
0xad: {  	_ =	task [dreg:s9], $0x5FFFF  }
0xae: {  	[dreg:$0x1] =	wrdreg $0xFFFFFFFF  }
0xaf: {  	[dreg:$0x0] =	wrdreg $0x60  }
0xb0: {  	[dreg:$0x2] =	wrdreg s2  }
0xb1: {  	[dreg:$0x3] =	wrdreg s19  }
0xb2: {  	[dreg:$0x4] =	wrdreg s4  }
0xb3: {  	[dreg:$0x5] =	wrdreg $0x9  }
0xb4: {  	_ =	task.clear_ibuf [dreg:s9], $0x6FFFF;
	_ =	strace $0x90000046  }
0xb5: {  	s29 =	simm.s32 $0x9;
	_ =	strace $0x80000048  }
0xb6: {  	_ =	swait.ge [sflag:s29], $0x1  }
0xb7: {  	[sflag:s29] =	ssyncadd.s32 $0xFFFFFFFF  }
0xb8: {  	_ =	strace $0x90000048  }
0xb9: {  	_ =	sfence  }
0xba: {  	s30 =	sld [smem:$0x0];
	_ =	sdelay $0x2  }
0xbb: {  	s31 =	sshll.u32 s1, $0xD;
	s1 =	sshrl.u32 s1, $0x2  }
0xbc: {  	s3 =	sand.u32 $0x4000, s31;
	s1 =	sadd.s32 s1, s30  }
0xbd: {  	s0 =	sor.u32 s3, s0;
	s1 =	sshll.u32 s1, $0x11  }
0xbe: {  	s0 =	sor.u32 s1, s0  }
0xbf: {  	s0 =	sadd.s32 $0x8F2B, s0  }
0xc0: {  	[sflag:s0] =	ssyncadd.remote.s32 $0x1  }
0xc1: {  	_ =	sfence.sel $0xFFFF  }
0xc2: {  	[dreg:$0x0] =	wrdreg $0xFFFFFFFF;
	(pc) =	sbr.abs _section_cstart, $3  }
0xc3: {  	[dreg:$0x1] =	wrdreg $0xFFFFFFFF  }
0xc4: {  	_ =	task.clear_ibuf [dreg:s9], $0x2FFFF;
	_ =	strace $0x9FFFFFFF  }
0xc5: {  	(tm) =	ssettm $0x7FFFFFFF  }
tec
execute0_lowered:
.L_overlay_start_1:
0x0: {  	(tag) =	ssettag $0x1  }
0x1: {  	s0 =	rddreg [dreg:$0x0]  }
0x2: {  	s1 =	rddreg [dreg:$0x2]  }
0x3: {  	s2 =	srdreg.scid;
	s3 =	simm.s32 $0x0;
	s5 =	stileid.u32  }
0x4: {  	s18 =	simm.s32 $0x400;
	s19 =	simm.s32 $0x20000;
	s28 =	simm.s32 $0x11280  }
0x5: {  	s29 =	simm.s32 $0x3;
	s30 =	simm.s32 $0x4;
	s2 =	sand.u32 $0x1, s2  }
0x6: {  	s31 =	simm.s32 $0x5;
	s5 =	sshll.u32 s5, $0xA;
	s4 =	ssub.s32 $0x2, s2  }
0x7: {  	[smem:$0x7FF] =	sst s3;
	s2 =	sshll.u32 s2, $0x9;
	s6 =	sshrl.u32 s4, $0x1  }
0x8: {  	_ =	strace $0x80000047;
	s2 =	sor.u32 s2, s5;
	s24 =	ssub.s32 s4, s6  }
0x9: {  	s4 =	sadd.s32 s0, s2;
	s8 =	sor.u32 $0x80, s2;
	s6 =	sadd.s32 s1, s2  }
0xa: {  	s10 =	sor.u32 $0x100, s2;
	s2 =	sor.u32 $0x180, s2;
	s25 =	sadd.s32 $0x38000, s4  }
0xb: {  	s7 =	sadd.s32 s0, s8;
	s9 =	sadd.s32 $0x98000, s6;
	s8 =	sadd.s32 s1, s8  }
0xc: {  	s26 =	sadd.s32 $0x98080, s6;
	s12 =	sadd.s32 s0, s2;
	[dreg:$0x4] =	wrdreg s25  }
0xd: {  	s13 =	sadd.s32 s1, s10;
	s14 =	sadd.s32 $0x98100, s6;
	[dreg:$0x5] =	wrdreg s9  }
0xe: {  	s15 =	sadd.s32 s1, s2;
	s16 =	sadd.s32 $0x98180, s6;
	[dreg:$0x6] =	wrdreg s8  }
0xf: {  	s17 =	smax.u32 s24, $0x1;
	s9 =	sadd.s32 s0, s10;
	[dreg:$0x7] =	wrdreg s26  }
0x10: {  	s25 =	simm.s32 $0x2;
	s26 =	simm.s32 $0x7A80;
	s0 =	simm.s32 $0x0  }
.LBB2_1:
0x11: {  	s1 =	rddreg [dreg:$0x1]  }
0x12: {  	[tilespmem:s3], [sflag:$0x1] =	stream.linear.gather [hbm4b:s1+s3], $0x258, $0x38;
	[tilespmem:$0x1AA80] =	vst v63  }
0x13: {  	s2 =	simm.s32 $0x280  }
0x14: {  	[tilespmem:s2], [sflag:$0x2] =	stream.strided.gather [hbm4b:s4+s18], $0x3800, s19, s18, $0x38;
	[tilespmem:$0x1AA80] =	vst v63  }
0x15: {  	s11 =	rddreg [dreg:$0x4];
	s5 =	simm.s32 $0x3A80  }
0x16: {  	[tilespmem:s5], [sflag:$0x2] =	stream.linear.gather [hbm4b:s11+s3], $0x280, $0x38;
	[tilespmem:$0x1AA80] =	vst v63  }
0x17: {  	s20 =	simm.s32 $0x258;
	s21 =	simm.s32 $0x1  }
0x18: {  	[tilespmem:s20], [sflag:$0x1] =	stream.linear.gather [hbm4b:s1+s3], $0x10, $0x38;
	[tilespmem:$0x1AA80] =	vst v63  }
0x19: {  	_ =	swait.ge [sflag:s21], $0x258  }
0x1a: {  	[sflag:s21] =	ssyncset.done $0x0  }
0x1b: {  	[sflag:s21] =	ssyncadd.s32 $0xFFFFFDA8  }
0x1c: {  	_ =	swait.ge [sflag:s21], $0x10  }
0x1d: {  	[sflag:s21] =	ssyncset.done $0x0  }
0x1e: {  	s22 =	simm.s32 $0x3E80;
	[sflag:s21] =	ssyncadd.s32 $0xFFFFFFF0  }
0x1f: {  	[tilespmem:s22], [sflag:$0x3] =	stream.strided.gather [hbm4b:s7+s18], $0x3800, s19, s18, $0x38;
	[tilespmem:$0x1AA80] =	vst v63  }
0x20: {  	s23 =	sadd.s32 $0x38000, s7;
	s24 =	simm.s32 $0x7680  }
0x21: {  	[tilespmem:s24], [sflag:$0x3] =	stream.linear.gather [hbm4b:s23+s3], $0x280, $0x38;
	[tilespmem:$0x1AA80] =	vst v63  }
0x22: {  	_ =	swait.ge [sflag:s25], $0x3A80  }
0x23: {  	[sflag:s25] =	ssyncset.done $0x0  }
0x24: {  	[sflag:s25] =	ssyncadd.s32 $0xFFFFC580  }
0x25: {  	v0 =	vld [tilespmem:s21+$0x0];
	_ =	sdelay $0x2  }
0x26: {  	v1 =	vld [tilespmem:s21+$0xFFFFFFFF];
	_ =	sdelay $0x1  }
0x27: {  	(v2sf) =	vpush v0, $0x0;
	_ =	sdelay $0x2  }
0x28: {  	(v2sf) =	vpush v1, $0x0;
	_ =	sdelay $0x7  }
0x29: {  	s5 =	simm.s32 $0x3  }
0x2a: {  	v0 =	vld [tilespmem:s5+$0x0];
	_ =	sdelay $0x2  }
0x2b: {  	v1 =	vld [tilespmem:s5+$0xFFFFFFFF];
	s8 =	spop (v2sf)  }
0x2c: {  	s1 =	sshll.u32 s8, $0x9  }
0x2d: {  	(v2sf) =	vpush v0, $0x0;
	s8 =	sshra.s32 s1, $0x2  }
0x2e: {  	s10 =	spop (v2sf);
	v0 =	vld [tilespmem:s8+$0x280]  }
0x2f: {  	s1 =	sshll.u32 s10, $0x9  }
0x30: {  	(v2sf) =	vpush v1, $0x0;
	s5 =	sshra.s32 s1, $0x2  }
0x31: {  	v1 =	vld [tilespmem:s5+$0x280]  }
0x32: {  	s20 =	simm.s32 $0x7B00  }
0x33: {  	[tilespmem:s20+$0x0] =	vst v0  }
0x34: {  	v0 =	vld [tilespmem:s8+$0x290];
	_ =	sdelay $0x1  }
0x35: {  	[tilespmem:s20+$0xFFFFFF80] =	vst v1  }
0x36: {  	v1 =	vld [tilespmem:s5+$0x290]  }
0x37: {  	s11 =	simm.s32 $0x5  }
0x38: {  	[tilespmem:s20+$0x10] =	vst v0;
	v0 =	vld [tilespmem:s11+$0x0]  }
0x39: {  	v2 =	vld [tilespmem:s8+$0x2A0];
	_ =	sdelay $0x1  }
0x3a: {  	[tilespmem:s20+$0xFFFFFF90] =	vst v1;
	v1 =	vld [tilespmem:s11+$0xFFFFFFFF];
	s21 =	spop (v2sf)  }
0x3b: {  	s1 =	sshll.u32 s21, $0x9;
	v3 =	vld [tilespmem:s5+$0x2A0]  }
0x3c: {  	s2 =	sshra.s32 s1, $0x2;
	(v2sf) =	vpush v0, $0x0  }
0x3d: {  	s22 =	spop (v2sf);
	v0 =	vld [tilespmem:s2+$0x280];
	[tilespmem:s20+$0x20] =	vst v2  }
0x3e: {  	s1 =	sshll.u32 s22, $0x9;
	v2 =	vld [tilespmem:s8+$0x2B0]  }
0x3f: {  	s1 =	sshra.s32 s1, $0x2;
	(v2sf) =	vpush v1, $0x0  }
0x40: {  	v1 =	vld [tilespmem:s1+$0x280];
	[tilespmem:s20+$0xFFFFFFA0] =	vst v3  }
0x41: {  	s22 =	simm.s32 $0x7C00;
	v3 =	vld [tilespmem:s5+$0x2B0]  }
0x42: {  	[tilespmem:s22+$0x0] =	vst v0  }
0x43: {  	v0 =	vld [tilespmem:s2+$0x290];
	[tilespmem:s20+$0x30] =	vst v2  }
0x44: {  	v2 =	vld [tilespmem:s8+$0x2C0]  }
0x45: {  	[tilespmem:s22+$0xFFFFFF80] =	vst v1  }
0x46: {  	v1 =	vld [tilespmem:s1+$0x290];
	[tilespmem:s20+$0xFFFFFFB0] =	vst v3  }
0x47: {  	s10 =	simm.s32 $0x7;
	v3 =	vld [tilespmem:s5+$0x2C0]  }
0x48: {  	[tilespmem:s22+$0x10] =	vst v0;
	v0 =	vld [tilespmem:s10+$0x0]  }
0x49: {  	[tilespmem:s20+$0x40] =	vst v2;
	v2 =	vld [tilespmem:s2+$0x2A0]  }
0x4a: {  	v4 =	vld [tilespmem:s8+$0x2D0]  }
0x4b: {  	[tilespmem:s22+$0xFFFFFF90] =	vst v1;
	v1 =	vld [tilespmem:s10+$0xFFFFFFFF];
	s23 =	spop (v2sf)  }
0x4c: {  	[tilespmem:s20+$0xFFFFFFC0] =	vst v3;
	v3 =	vld [tilespmem:s1+$0x2A0];
	s10 =	sshll.u32 s23, $0x9  }
0x4d: {  	v5 =	vld [tilespmem:s5+$0x2D0];
	s21 =	sshra.s32 s10, $0x2  }
0x4e: {  	s24 =	spop (v2sf);
	(v2sf) =	vpush v0, $0x0;
	v6 =	vld [tilespmem:s21+$0x280];
	[tilespmem:s22+$0x20] =	vst v2  }
0x4f: {  	s10 =	sshll.u32 s24, $0x9;
	v2 =	vld [tilespmem:s2+$0x2B0];
	[tilespmem:s20+$0x50] =	vst v4  }
0x50: {  	(v2sf) =	vpush v1, $0x0;
	s24 =	sshra.s32 s10, $0x2;
	v4 =	vld [tilespmem:s8+$0x2E0]  }
0x51: {  	[tilespmem:s22+$0xFFFFFFA0] =	vst v3;
	v3 =	vld [tilespmem:s24+$0x280]  }
0x52: {  	s23 =	simm.s32 $0x7D00;
	[tilespmem:s20+$0xFFFFFFD0] =	vst v5;
	v5 =	vld [tilespmem:s1+$0x2B0]  }
0x53: {  	[tilespmem:s23+$0x0] =	vst v6;
	v6 =	vld [tilespmem:s5+$0x2E0]  }
0x54: {  	[tilespmem:s22+$0x30] =	vst v2;
	v7 =	vld [tilespmem:s21+$0x290]  }
0x55: {  	[tilespmem:s20+$0x60] =	vst v4;
	v2 =	vld [tilespmem:s2+$0x2C0]  }
0x56: {  	[tilespmem:s23+$0xFFFFFF80] =	vst v3;
	v3 =	vld [tilespmem:s8+$0x2F0]  }
0x57: {  	[tilespmem:s22+$0xFFFFFFB0] =	vst v5;
	v4 =	vld [tilespmem:s24+$0x290]  }
0x58: {  	v0 =	vld [tilespmem:s1+$0x2C0];
	[tilespmem:s20+$0xFFFFFFE0] =	vst v6  }
0x59: {  	s10 =	simm.s32 $0x9;
	s8 =	simm.s32 $0x6;
	[tilespmem:s23+$0x10] =	vst v7;
	v1 =	vld [tilespmem:s5+$0x2F0]  }
.LBB2_2:
0x5a: {  	v5 =	vld [tilespmem:s10+$0x0];
	[tilespmem:s22+$0x40] =	vst v2  }
0x5b: {  	v2 =	vld [tilespmem:s21+$0x2A0];
	[tilespmem:s20+$0x70] =	vst v3  }
0x5c: {  	[tilespmem:s23+$0xFFFFFF90] =	vst v4;
	v3 =	vld [tilespmem:s2+$0x2D0]  }
0x5d: {  	s8 =	sadd.s32 $0x2, s8;
	v4 =	vld [tilespmem:s10+$0xFFFFFFFF];
	s5 =	spop (v2sf);
	[tilespmem:s22+$0xFFFFFFC0] =	vst v0  }
0x5e: {  	p0 =	slt.u32 s8, $0x12E;
	s5 =	sshll.u32 s5, $0x9;
	v0 =	vld [tilespmem:s24+$0x2A0];
	[tilespmem:s20+$0xFFFFFFF0] =	vst v1;
	s20 =	smov.u32 s22  }
0x5f: {  	s22 =	smov.u32 s23;
	s5 =	sshra.s32 s5, $0x2;
	s11 =	spop (v2sf);
	v1 =	vld [tilespmem:s1+$0x2D0]  }
0x60: {  	(v2sf) =	vpush v5, $0x0;
	s11 =	sshll.u32 s11, $0x9;
	v5 =	vld [tilespmem:s5+$0x280];
	[tilespmem:s23+$0x20] =	vst v2  }
0x61: {  	s11 =	sshra.s32 s11, $0x2;
	v2 =	vld [tilespmem:s21+$0x2B0];
	[tilespmem:s20+$0x50] =	vst v3  }
0x62: {  	(v2sf) =	vpush v4, $0x0;
	v3 =	vld [tilespmem:s2+$0x2E0]  }
0x63: {  	v4 =	vld [tilespmem:s11+$0x280];
	[tilespmem:s23+$0xFFFFFFA0] =	vst v0  }
0x64: {  	s23 =	sadd.s32 $0x100, s23;
	v0 =	vld [tilespmem:s24+$0x2B0];
	[tilespmem:s20+$0xFFFFFFD0] =	vst v1  }
0x65: {  	[tilespmem:s23+$0x0] =	vst v5;
	v1 =	vld [tilespmem:s1+$0x2E0]  }
0x66: {  	v5 =	vld [tilespmem:s5+$0x290];
	[tilespmem:s22+$0x30] =	vst v2  }
.Ltmp0:
0x67: {  	v2 =	vld [tilespmem:s21+$0x2C0];
	[tilespmem:s20+$0x60] =	vst v3;
	(pc) =	sbr.rel @p0 .LBB2_2-.Ltmp0, $4  }
0x68: {  	[tilespmem:s23+$0xFFFFFF80] =	vst v4;
	v3 =	vld [tilespmem:s2+$0x2F0];
	s2 =	smov.u32 s21;
	s21 =	smov.u32 s5  }
0x69: {  	v4 =	vld [tilespmem:s11+$0x290];
	[tilespmem:s22+$0xFFFFFFB0] =	vst v0  }
0x6a: {  	v0 =	vld [tilespmem:s24+$0x2C0];
	[tilespmem:s20+$0xFFFFFFE0] =	vst v1  }
0x6b: {  	s10 =	sadd.s32 $0x2, s10;
	[tilespmem:s23+$0x10] =	vst v5;
	v1 =	vld [tilespmem:s1+$0x2F0];
	s1 =	smov.u32 s24;
	s24 =	smov.u32 s11  }
0x6c: {  	_ =	sdelay $0x3  }
0x6d: {  	s5 =	spop (v2sf)  }
0x6e: {  	s5 =	sshll.u32 s5, $0x9;
	s10 =	spop (v2sf)  }
0x6f: {  	s8 =	sshra.s32 s5, $0x2;
	s10 =	sshll.u32 s10, $0x9  }
0x70: {  	v5 =	vld [tilespmem:s8+$0x280];
	s10 =	sshra.s32 s10, $0x2  }
0x71: {  	v6 =	vld [tilespmem:s10+$0x280];
	_ =	sdelay $0x2  }
0x72: {  	s11 =	sadd.s32 $0x100, s23  }
0x73: {  	[tilespmem:s11+$0x0] =	vst v5  }
0x74: {  	v5 =	vld [tilespmem:s8+$0x290];
	[tilespmem:s11+$0xFFFFFF80] =	vst v6  }
0x75: {  	v6 =	vld [tilespmem:s10+$0x290];
	_ =	sdelay $0x1  }
0x76: {  	v7 =	vld [tilespmem:s21+$0x2A0];
	[tilespmem:s23+$0xFFFFFF90] =	vst v4  }
0x77: {  	v4 =	vld [tilespmem:s24+$0x2A0]  }
0x78: {  	[tilespmem:s11+$0x10] =	vst v5  }
0x79: {  	v5 =	vld [tilespmem:s8+$0x2A0];
	[tilespmem:s11+$0xFFFFFF90] =	vst v6  }
0x7a: {  	v6 =	vld [tilespmem:s10+$0x2A0]  }
0x7b: {  	[tilespmem:s23+$0x20] =	vst v7  }
0x7c: {  	[tilespmem:s23+$0xFFFFFFA0] =	vst v4;
	v4 =	vld [tilespmem:s21+$0x2B0]  }
0x7d: {  	[tilespmem:s22+$0x40] =	vst v2  }
0x7e: {  	[tilespmem:s11+$0x20] =	vst v5;
	v5 =	vld [tilespmem:s24+$0x2B0]  }
0x7f: {  	[tilespmem:s11+$0xFFFFFFA0] =	vst v6;
	v6 =	vld [tilespmem:s8+$0x2B0]  }
0x80: {  	[tilespmem:s20+$0x70] =	vst v3;
	v2 =	vld [tilespmem:s10+$0x2B0]  }
0x81: {  	[tilespmem:s23+$0x30] =	vst v4  }
0x82: {  	[tilespmem:s22+$0xFFFFFFC0] =	vst v0;
	v3 =	vld [tilespmem:s21+$0x2C0]  }
0x83: {  	[tilespmem:s23+$0xFFFFFFB0] =	vst v5  }
0x84: {  	v4 =	vld [tilespmem:s24+$0x2C0];
	[tilespmem:s11+$0x30] =	vst v6  }
0x85: {  	v5 =	vld [tilespmem:s8+$0x2C0];
	[tilespmem:s11+$0xFFFFFFB0] =	vst v2  }
0x86: {  	[tilespmem:s20+$0xFFFFFFF0] =	vst v1;
	v0 =	vld [tilespmem:s10+$0x2C0]  }
0x87: {  	v1 =	vld [tilespmem:s1+$0x2D0];
	[tilespmem:s23+$0x40] =	vst v3  }
0x88: {  	v3 =	vld [tilespmem:s21+$0x2D0]  }
0x89: {  	v2 =	vld [tilespmem:s2+$0x2D0];
	[tilespmem:s23+$0xFFFFFFC0] =	vst v4  }
0x8a: {  	v4 =	vld [tilespmem:s24+$0x2D0];
	[tilespmem:s11+$0x40] =	vst v5  }
0x8b: {  	v5 =	vld [tilespmem:s8+$0x2D0];
	[tilespmem:s11+$0xFFFFFFC0] =	vst v0  }
0x8c: {  	[tilespmem:s22+$0xFFFFFFD0] =	vst v1;
	v0 =	vld [tilespmem:s10+$0x2D0]  }
0x8d: {  	v1 =	vld [tilespmem:s1+$0x2E0];
	[tilespmem:s23+$0x50] =	vst v3  }
0x8e: {  	v3 =	vld [tilespmem:s21+$0x2E0];
	[tilespmem:s22+$0x50] =	vst v2  }
0x8f: {  	v2 =	vld [tilespmem:s2+$0x2E0];
	[tilespmem:s23+$0xFFFFFFD0] =	vst v4  }
0x90: {  	v4 =	vld [tilespmem:s24+$0x2E0];
	[tilespmem:s11+$0x50] =	vst v5  }
0x91: {  	v5 =	vld [tilespmem:s8+$0x2E0];
	[tilespmem:s11+$0xFFFFFFD0] =	vst v0  }
0x92: {  	[tilespmem:s22+$0xFFFFFFE0] =	vst v1;
	v0 =	vld [tilespmem:s10+$0x2E0]  }
0x93: {  	v1 =	vld [tilespmem:s1+$0x2F0];
	[tilespmem:s23+$0x60] =	vst v3  }
0x94: {  	v3 =	vld [tilespmem:s21+$0x2F0];
	[tilespmem:s22+$0x60] =	vst v2  }
0x95: {  	v2 =	vld [tilespmem:s2+$0x2F0];
	[tilespmem:s23+$0xFFFFFFE0] =	vst v4  }
0x96: {  	v4 =	vld [tilespmem:s24+$0x2F0];
	[tilespmem:s11+$0x60] =	vst v5  }
0x97: {  	v5 =	vld [tilespmem:s8+$0x2F0];
	[tilespmem:s11+$0xFFFFFFE0] =	vst v0  }
0x98: {  	[tilespmem:s22+$0xFFFFFFF0] =	vst v1;
	v0 =	vld [tilespmem:s10+$0x2F0]  }
0x99: {  	[tilespmem:s23+$0x70] =	vst v3  }
0x9a: {  	[tilespmem:s22+$0x70] =	vst v2  }
0x9b: {  	[tilespmem:s23+$0xFFFFFFF0] =	vst v4  }
0x9c: {  	[tilespmem:s11+$0x70] =	vst v5  }
0x9d: {  	s21 =	simm.s32 $0x131;
	[tilespmem:s11+$0xFFFFFFF0] =	vst v0  }
0x9e: {  	[hbm4b:s6+s18] =	stream.strided.scatter [tilespmem:s26], [sflag:$0x4], $0x9800, s19, s18, $0x38;
	[tilespmem:$0x1AA80] =	vst v63  }
0x9f: {  	v0 =	vld [tilespmem:s21+$0x0];
	_ =	sdelay $0x2  }
0xa0: {  	v1 =	vld [tilespmem:s21+$0xFFFFFFFF];
	_ =	sdelay $0x1  }
0xa1: {  	(v2sf) =	vpush v0, $0x0;
	_ =	sdelay $0x2  }
0xa2: {  	(v2sf) =	vpush v1, $0x0;
	_ =	sdelay $0x7  }
0xa3: {  	s22 =	simm.s32 $0x133  }
0xa4: {  	v0 =	vld [tilespmem:s22+$0x0];
	_ =	sdelay $0x2  }
0xa5: {  	v1 =	vld [tilespmem:s22+$0xFFFFFFFF];
	s23 =	spop (v2sf)  }
0xa6: {  	s1 =	sshll.u32 s23, $0x9  }
0xa7: {  	(v2sf) =	vpush v0, $0x0;
	s8 =	sshra.s32 s1, $0x2  }
0xa8: {  	s24 =	spop (v2sf);
	v0 =	vld [tilespmem:s8+$0x280]  }
0xa9: {  	s1 =	sshll.u32 s24, $0x9  }
0xaa: {  	(v2sf) =	vpush v1, $0x0;
	s5 =	sshra.s32 s1, $0x2  }
0xab: {  	v1 =	vld [tilespmem:s5+$0x280]  }
0xac: {  	s20 =	simm.s32 $0x11300  }
0xad: {  	[tilespmem:s20+$0x0] =	vst v0  }
0xae: {  	v0 =	vld [tilespmem:s8+$0x290];
	_ =	sdelay $0x1  }
0xaf: {  	[tilespmem:s20+$0xFFFFFF80] =	vst v1  }
0xb0: {  	v1 =	vld [tilespmem:s5+$0x290]  }
0xb1: {  	s2 =	simm.s32 $0x135  }
0xb2: {  	[tilespmem:s20+$0x10] =	vst v0;
	v0 =	vld [tilespmem:s2+$0x0]  }
0xb3: {  	v2 =	vld [tilespmem:s8+$0x2A0];
	_ =	sdelay $0x1  }
0xb4: {  	[tilespmem:s20+$0xFFFFFF90] =	vst v1;
	v1 =	vld [tilespmem:s2+$0xFFFFFFFF];
	s10 =	spop (v2sf)  }
0xb5: {  	s1 =	sshll.u32 s10, $0x9;
	v3 =	vld [tilespmem:s5+$0x2A0]  }
0xb6: {  	s2 =	sshra.s32 s1, $0x2;
	(v2sf) =	vpush v0, $0x0  }
0xb7: {  	s11 =	spop (v2sf);
	v0 =	vld [tilespmem:s2+$0x280];
	[tilespmem:s20+$0x20] =	vst v2  }
0xb8: {  	s1 =	sshll.u32 s11, $0x9;
	v2 =	vld [tilespmem:s8+$0x2B0]  }
0xb9: {  	s1 =	sshra.s32 s1, $0x2;
	(v2sf) =	vpush v1, $0x0  }
0xba: {  	v1 =	vld [tilespmem:s1+$0x280];
	[tilespmem:s20+$0xFFFFFFA0] =	vst v3  }
0xbb: {  	s22 =	simm.s32 $0x11400;
	v3 =	vld [tilespmem:s5+$0x2B0]  }
0xbc: {  	[tilespmem:s22+$0x0] =	vst v0  }
0xbd: {  	v0 =	vld [tilespmem:s2+$0x290];
	[tilespmem:s20+$0x30] =	vst v2  }
0xbe: {  	v2 =	vld [tilespmem:s8+$0x2C0]  }
0xbf: {  	[tilespmem:s22+$0xFFFFFF80] =	vst v1  }
0xc0: {  	v1 =	vld [tilespmem:s1+$0x290];
	[tilespmem:s20+$0xFFFFFFB0] =	vst v3  }
0xc1: {  	s21 =	simm.s32 $0x137;
	v3 =	vld [tilespmem:s5+$0x2C0]  }
0xc2: {  	[tilespmem:s22+$0x10] =	vst v0;
	v0 =	vld [tilespmem:s21+$0x0]  }
0xc3: {  	[tilespmem:s20+$0x40] =	vst v2;
	v2 =	vld [tilespmem:s2+$0x2A0]  }
0xc4: {  	v4 =	vld [tilespmem:s8+$0x2D0]  }
0xc5: {  	[tilespmem:s22+$0xFFFFFF90] =	vst v1;
	v1 =	vld [tilespmem:s21+$0xFFFFFFFF];
	s23 =	spop (v2sf)  }
0xc6: {  	[tilespmem:s20+$0xFFFFFFC0] =	vst v3;
	v3 =	vld [tilespmem:s1+$0x2A0];
	s10 =	sshll.u32 s23, $0x9  }
0xc7: {  	v5 =	vld [tilespmem:s5+$0x2D0];
	s21 =	sshra.s32 s10, $0x2  }
0xc8: {  	s24 =	spop (v2sf);
	(v2sf) =	vpush v0, $0x0;
	v6 =	vld [tilespmem:s21+$0x280];
	[tilespmem:s22+$0x20] =	vst v2  }
0xc9: {  	s10 =	sshll.u32 s24, $0x9;
	v2 =	vld [tilespmem:s2+$0x2B0];
	[tilespmem:s20+$0x50] =	vst v4  }
0xca: {  	(v2sf) =	vpush v1, $0x0;
	s24 =	sshra.s32 s10, $0x2;
	v4 =	vld [tilespmem:s8+$0x2E0]  }
0xcb: {  	[tilespmem:s22+$0xFFFFFFA0] =	vst v3;
	v3 =	vld [tilespmem:s24+$0x280]  }
0xcc: {  	s23 =	simm.s32 $0x11500;
	[tilespmem:s20+$0xFFFFFFD0] =	vst v5;
	v5 =	vld [tilespmem:s1+$0x2B0]  }
0xcd: {  	[tilespmem:s23+$0x0] =	vst v6;
	v6 =	vld [tilespmem:s5+$0x2E0]  }
0xce: {  	[tilespmem:s22+$0x30] =	vst v2;
	v7 =	vld [tilespmem:s21+$0x290]  }
0xcf: {  	[tilespmem:s20+$0x60] =	vst v4;
	v2 =	vld [tilespmem:s2+$0x2C0]  }
0xd0: {  	[tilespmem:s23+$0xFFFFFF80] =	vst v3;
	v3 =	vld [tilespmem:s8+$0x2F0]  }
0xd1: {  	[tilespmem:s22+$0xFFFFFFB0] =	vst v5;
	v4 =	vld [tilespmem:s24+$0x290]  }
0xd2: {  	v0 =	vld [tilespmem:s1+$0x2C0];
	[tilespmem:s20+$0xFFFFFFE0] =	vst v6  }
0xd3: {  	s10 =	simm.s32 $0x139;
	s8 =	simm.s32 $0x6;
	[tilespmem:s23+$0x10] =	vst v7;
	v1 =	vld [tilespmem:s5+$0x2F0]  }
.LBB2_4:
0xd4: {  	v5 =	vld [tilespmem:s10+$0x0];
	[tilespmem:s22+$0x40] =	vst v2  }
0xd5: {  	v2 =	vld [tilespmem:s21+$0x2A0];
	[tilespmem:s20+$0x70] =	vst v3  }
0xd6: {  	[tilespmem:s23+$0xFFFFFF90] =	vst v4;
	v3 =	vld [tilespmem:s2+$0x2D0]  }
0xd7: {  	s8 =	sadd.s32 $0x2, s8;
	v4 =	vld [tilespmem:s10+$0xFFFFFFFF];
	s5 =	spop (v2sf);
	[tilespmem:s22+$0xFFFFFFC0] =	vst v0  }
0xd8: {  	p0 =	slt.u32 s8, $0x126;
	s5 =	sshll.u32 s5, $0x9;
	v0 =	vld [tilespmem:s24+$0x2A0];
	[tilespmem:s20+$0xFFFFFFF0] =	vst v1;
	s20 =	smov.u32 s22  }
0xd9: {  	s22 =	smov.u32 s23;
	s5 =	sshra.s32 s5, $0x2;
	s11 =	spop (v2sf);
	v1 =	vld [tilespmem:s1+$0x2D0]  }
0xda: {  	(v2sf) =	vpush v5, $0x0;
	s11 =	sshll.u32 s11, $0x9;
	v5 =	vld [tilespmem:s5+$0x280];
	[tilespmem:s23+$0x20] =	vst v2  }
0xdb: {  	s11 =	sshra.s32 s11, $0x2;
	v2 =	vld [tilespmem:s21+$0x2B0];
	[tilespmem:s20+$0x50] =	vst v3  }
0xdc: {  	(v2sf) =	vpush v4, $0x0;
	v3 =	vld [tilespmem:s2+$0x2E0]  }
0xdd: {  	v4 =	vld [tilespmem:s11+$0x280];
	[tilespmem:s23+$0xFFFFFFA0] =	vst v0  }
0xde: {  	s23 =	sadd.s32 $0x100, s23;
	v0 =	vld [tilespmem:s24+$0x2B0];
	[tilespmem:s20+$0xFFFFFFD0] =	vst v1  }
0xdf: {  	[tilespmem:s23+$0x0] =	vst v5;
	v1 =	vld [tilespmem:s1+$0x2E0]  }
0xe0: {  	v5 =	vld [tilespmem:s5+$0x290];
	[tilespmem:s22+$0x30] =	vst v2  }
.Ltmp1:
0xe1: {  	v2 =	vld [tilespmem:s21+$0x2C0];
	[tilespmem:s20+$0x60] =	vst v3;
	(pc) =	sbr.rel @p0 .LBB2_4-.Ltmp1, $4  }
0xe2: {  	[tilespmem:s23+$0xFFFFFF80] =	vst v4;
	v3 =	vld [tilespmem:s2+$0x2F0];
	s2 =	smov.u32 s21;
	s21 =	smov.u32 s5  }
0xe3: {  	v4 =	vld [tilespmem:s11+$0x290];
	[tilespmem:s22+$0xFFFFFFB0] =	vst v0  }
0xe4: {  	v0 =	vld [tilespmem:s24+$0x2C0];
	[tilespmem:s20+$0xFFFFFFE0] =	vst v1  }
0xe5: {  	s10 =	sadd.s32 $0x2, s10;
	[tilespmem:s23+$0x10] =	vst v5;
	v1 =	vld [tilespmem:s1+$0x2F0];
	s1 =	smov.u32 s24;
	s24 =	smov.u32 s11  }
0xe6: {  	_ =	sdelay $0x3  }
0xe7: {  	s5 =	spop (v2sf)  }
0xe8: {  	s5 =	sshll.u32 s5, $0x9;
	s10 =	spop (v2sf)  }
0xe9: {  	s8 =	sshra.s32 s5, $0x2;
	s10 =	sshll.u32 s10, $0x9  }
0xea: {  	v5 =	vld [tilespmem:s8+$0x280];
	s10 =	sshra.s32 s10, $0x2  }
0xeb: {  	v6 =	vld [tilespmem:s10+$0x280];
	_ =	sdelay $0x2  }
0xec: {  	s11 =	sadd.s32 $0x100, s23  }
0xed: {  	[tilespmem:s11+$0x0] =	vst v5  }
0xee: {  	v5 =	vld [tilespmem:s8+$0x290];
	[tilespmem:s11+$0xFFFFFF80] =	vst v6  }
0xef: {  	v6 =	vld [tilespmem:s10+$0x290];
	_ =	sdelay $0x1  }
0xf0: {  	v7 =	vld [tilespmem:s21+$0x2A0];
	[tilespmem:s23+$0xFFFFFF90] =	vst v4  }
0xf1: {  	v4 =	vld [tilespmem:s24+$0x2A0]  }
0xf2: {  	[tilespmem:s11+$0x10] =	vst v5  }
0xf3: {  	v5 =	vld [tilespmem:s8+$0x2A0];
	[tilespmem:s11+$0xFFFFFF90] =	vst v6  }
0xf4: {  	v6 =	vld [tilespmem:s10+$0x2A0]  }
0xf5: {  	[tilespmem:s23+$0x20] =	vst v7  }
0xf6: {  	[tilespmem:s23+$0xFFFFFFA0] =	vst v4;
	v4 =	vld [tilespmem:s21+$0x2B0]  }
0xf7: {  	[tilespmem:s22+$0x40] =	vst v2  }
0xf8: {  	[tilespmem:s11+$0x20] =	vst v5;
	v5 =	vld [tilespmem:s24+$0x2B0]  }
0xf9: {  	[tilespmem:s11+$0xFFFFFFA0] =	vst v6;
	v6 =	vld [tilespmem:s8+$0x2B0]  }
0xfa: {  	[tilespmem:s20+$0x70] =	vst v3;
	v2 =	vld [tilespmem:s10+$0x2B0]  }
0xfb: {  	[tilespmem:s23+$0x30] =	vst v4  }
0xfc: {  	[tilespmem:s22+$0xFFFFFFC0] =	vst v0;
	v3 =	vld [tilespmem:s21+$0x2C0]  }
0xfd: {  	[tilespmem:s23+$0xFFFFFFB0] =	vst v5  }
0xfe: {  	v4 =	vld [tilespmem:s24+$0x2C0];
	[tilespmem:s11+$0x30] =	vst v6  }
0xff: {  	v5 =	vld [tilespmem:s8+$0x2C0];
	[tilespmem:s11+$0xFFFFFFB0] =	vst v2  }
0x100: {  	[tilespmem:s20+$0xFFFFFFF0] =	vst v1;
	v0 =	vld [tilespmem:s10+$0x2C0]  }
0x101: {  	v1 =	vld [tilespmem:s1+$0x2D0];
	[tilespmem:s23+$0x40] =	vst v3  }
0x102: {  	v3 =	vld [tilespmem:s21+$0x2D0]  }
0x103: {  	v2 =	vld [tilespmem:s2+$0x2D0];
	[tilespmem:s23+$0xFFFFFFC0] =	vst v4  }
0x104: {  	v4 =	vld [tilespmem:s24+$0x2D0];
	[tilespmem:s11+$0x40] =	vst v5  }
0x105: {  	v5 =	vld [tilespmem:s8+$0x2D0];
	[tilespmem:s11+$0xFFFFFFC0] =	vst v0  }
0x106: {  	[tilespmem:s22+$0xFFFFFFD0] =	vst v1;
	v0 =	vld [tilespmem:s10+$0x2D0]  }
0x107: {  	v1 =	vld [tilespmem:s1+$0x2E0];
	[tilespmem:s23+$0x50] =	vst v3  }
0x108: {  	v3 =	vld [tilespmem:s21+$0x2E0];
	[tilespmem:s22+$0x50] =	vst v2  }
0x109: {  	v2 =	vld [tilespmem:s2+$0x2E0];
	[tilespmem:s23+$0xFFFFFFD0] =	vst v4  }
0x10a: {  	v4 =	vld [tilespmem:s24+$0x2E0];
	[tilespmem:s11+$0x50] =	vst v5  }
0x10b: {  	v5 =	vld [tilespmem:s8+$0x2E0];
	[tilespmem:s11+$0xFFFFFFD0] =	vst v0  }
0x10c: {  	[tilespmem:s22+$0xFFFFFFE0] =	vst v1;
	v0 =	vld [tilespmem:s10+$0x2E0]  }
0x10d: {  	v1 =	vld [tilespmem:s1+$0x2F0];
	[tilespmem:s23+$0x60] =	vst v3  }
0x10e: {  	v3 =	vld [tilespmem:s21+$0x2F0];
	[tilespmem:s22+$0x60] =	vst v2  }
0x10f: {  	v2 =	vld [tilespmem:s2+$0x2F0];
	[tilespmem:s23+$0xFFFFFFE0] =	vst v4  }
0x110: {  	v4 =	vld [tilespmem:s24+$0x2F0];
	[tilespmem:s11+$0x60] =	vst v5  }
0x111: {  	v5 =	vld [tilespmem:s8+$0x2F0];
	[tilespmem:s11+$0xFFFFFFE0] =	vst v0  }
0x112: {  	[tilespmem:s22+$0xFFFFFFF0] =	vst v1;
	v0 =	vld [tilespmem:s10+$0x2F0]  }
0x113: {  	[tilespmem:s23+$0x70] =	vst v3  }
0x114: {  	[tilespmem:s22+$0x70] =	vst v2  }
0x115: {  	[tilespmem:s23+$0xFFFFFFF0] =	vst v4  }
0x116: {  	[tilespmem:s11+$0x70] =	vst v5  }
0x117: {  	[tilespmem:s11+$0xFFFFFFF0] =	vst v0  }
0x118: {  	s8 =	rddreg [dreg:$0x5]  }
0x119: {  	[hbm4b:s8+s18] =	stream.strided.scatter [tilespmem:s28], [sflag:$0x5], $0x9400, s19, s18, $0x38;
	[tilespmem:$0x1AA80] =	vst v63  }
0x11a: {  	s10 =	simm.s32 $0x280  }
0x11b: {  	[tilespmem:s10], [sflag:$0x2] =	stream.strided.gather [hbm4b:s9+s18], $0x3800, s19, s18, $0x38;
	[tilespmem:$0x1AA80] =	vst v63  }
0x11c: {  	s20 =	simm.s32 $0x3A80;
	s11 =	sadd.s32 $0x38000, s9  }
0x11d: {  	[tilespmem:s20], [sflag:$0x2] =	stream.linear.gather [hbm4b:s11+s3], $0x280, $0x38;
	[tilespmem:$0x1AA80] =	vst v63  }
0x11e: {  	_ =	swait.ge [sflag:s29], $0x3A80  }
0x11f: {  	[sflag:s29] =	ssyncset.done $0x0  }
0x120: {  	[sflag:s29] =	ssyncadd.s32 $0xFFFFC580  }
0x121: {  	_ =	swait.ge [sflag:s30], $0x9800  }
0x122: {  	[sflag:s30] =	ssyncset.done $0x0  }
0x123: {  	s21 =	simm.s32 $0x1;
	[sflag:s30] =	ssyncadd.s32 $0xFFFF6800  }
0x124: {  	v0 =	vld [tilespmem:s21+$0x0];
	_ =	sdelay $0x2  }
0x125: {  	v1 =	vld [tilespmem:s21+$0xFFFFFFFF];
	_ =	sdelay $0x1  }
0x126: {  	(v2sf) =	vpush v0, $0x0;
	_ =	sdelay $0x2  }
0x127: {  	(v2sf) =	vpush v1, $0x0;
	_ =	sdelay $0x7  }
0x128: {  	s22 =	simm.s32 $0x3  }
0x129: {  	v0 =	vld [tilespmem:s22+$0x0];
	_ =	sdelay $0x2  }
0x12a: {  	v1 =	vld [tilespmem:s22+$0xFFFFFFFF];
	s23 =	spop (v2sf)  }
0x12b: {  	s1 =	sshll.u32 s23, $0x9  }
0x12c: {  	(v2sf) =	vpush v0, $0x0;
	s8 =	sshra.s32 s1, $0x2  }
0x12d: {  	s24 =	spop (v2sf);
	v0 =	vld [tilespmem:s8+$0x3E80]  }
0x12e: {  	s1 =	sshll.u32 s24, $0x9  }
0x12f: {  	(v2sf) =	vpush v1, $0x0;
	s5 =	sshra.s32 s1, $0x2  }
0x130: {  	v1 =	vld [tilespmem:s5+$0x3E80]  }
0x131: {  	s20 =	simm.s32 $0x7B00  }
0x132: {  	[tilespmem:s20+$0x0] =	vst v0  }
0x133: {  	v0 =	vld [tilespmem:s8+$0x3E90];
	_ =	sdelay $0x1  }
0x134: {  	[tilespmem:s20+$0xFFFFFF80] =	vst v1  }
0x135: {  	v1 =	vld [tilespmem:s5+$0x3E90]  }
0x136: {  	s2 =	simm.s32 $0x5  }
0x137: {  	[tilespmem:s20+$0x10] =	vst v0;
	v0 =	vld [tilespmem:s2+$0x0]  }
0x138: {  	v2 =	vld [tilespmem:s8+$0x3EA0];
	_ =	sdelay $0x1  }
0x139: {  	[tilespmem:s20+$0xFFFFFF90] =	vst v1;
	v1 =	vld [tilespmem:s2+$0xFFFFFFFF];
	s10 =	spop (v2sf)  }
0x13a: {  	s1 =	sshll.u32 s10, $0x9;
	v3 =	vld [tilespmem:s5+$0x3EA0]  }
0x13b: {  	s2 =	sshra.s32 s1, $0x2;
	(v2sf) =	vpush v0, $0x0  }
0x13c: {  	s11 =	spop (v2sf);
	v0 =	vld [tilespmem:s2+$0x3E80];
	[tilespmem:s20+$0x20] =	vst v2  }
0x13d: {  	s1 =	sshll.u32 s11, $0x9;
	v2 =	vld [tilespmem:s8+$0x3EB0]  }
0x13e: {  	s1 =	sshra.s32 s1, $0x2;
	(v2sf) =	vpush v1, $0x0  }
0x13f: {  	v1 =	vld [tilespmem:s1+$0x3E80];
	[tilespmem:s20+$0xFFFFFFA0] =	vst v3  }
0x140: {  	s22 =	simm.s32 $0x7C00;
	v3 =	vld [tilespmem:s5+$0x3EB0]  }
0x141: {  	[tilespmem:s22+$0x0] =	vst v0  }
0x142: {  	v0 =	vld [tilespmem:s2+$0x3E90];
	[tilespmem:s20+$0x30] =	vst v2  }
0x143: {  	v2 =	vld [tilespmem:s8+$0x3EC0]  }
0x144: {  	[tilespmem:s22+$0xFFFFFF80] =	vst v1  }
0x145: {  	v1 =	vld [tilespmem:s1+$0x3E90];
	[tilespmem:s20+$0xFFFFFFB0] =	vst v3  }
0x146: {  	s21 =	simm.s32 $0x7;
	v3 =	vld [tilespmem:s5+$0x3EC0]  }
0x147: {  	[tilespmem:s22+$0x10] =	vst v0;
	v0 =	vld [tilespmem:s21+$0x0]  }
0x148: {  	[tilespmem:s20+$0x40] =	vst v2;
	v2 =	vld [tilespmem:s2+$0x3EA0]  }
0x149: {  	v4 =	vld [tilespmem:s8+$0x3ED0]  }
0x14a: {  	[tilespmem:s22+$0xFFFFFF90] =	vst v1;
	v1 =	vld [tilespmem:s21+$0xFFFFFFFF];
	s23 =	spop (v2sf)  }
0x14b: {  	[tilespmem:s20+$0xFFFFFFC0] =	vst v3;
	v3 =	vld [tilespmem:s1+$0x3EA0];
	s10 =	sshll.u32 s23, $0x9  }
0x14c: {  	v5 =	vld [tilespmem:s5+$0x3ED0];
	s21 =	sshra.s32 s10, $0x2  }
0x14d: {  	s24 =	spop (v2sf);
	(v2sf) =	vpush v0, $0x0;
	v6 =	vld [tilespmem:s21+$0x3E80];
	[tilespmem:s22+$0x20] =	vst v2  }
0x14e: {  	s10 =	sshll.u32 s24, $0x9;
	v2 =	vld [tilespmem:s2+$0x3EB0];
	[tilespmem:s20+$0x50] =	vst v4  }
0x14f: {  	(v2sf) =	vpush v1, $0x0;
	s24 =	sshra.s32 s10, $0x2;
	v4 =	vld [tilespmem:s8+$0x3EE0]  }
0x150: {  	[tilespmem:s22+$0xFFFFFFA0] =	vst v3;
	v3 =	vld [tilespmem:s24+$0x3E80]  }
0x151: {  	s23 =	simm.s32 $0x7D00;
	[tilespmem:s20+$0xFFFFFFD0] =	vst v5;
	v5 =	vld [tilespmem:s1+$0x3EB0]  }
0x152: {  	[tilespmem:s23+$0x0] =	vst v6;
	v6 =	vld [tilespmem:s5+$0x3EE0]  }
0x153: {  	[tilespmem:s22+$0x30] =	vst v2;
	v7 =	vld [tilespmem:s21+$0x3E90]  }
0x154: {  	[tilespmem:s20+$0x60] =	vst v4;
	v2 =	vld [tilespmem:s2+$0x3EC0]  }
0x155: {  	[tilespmem:s23+$0xFFFFFF80] =	vst v3;
	v3 =	vld [tilespmem:s8+$0x3EF0]  }
0x156: {  	[tilespmem:s22+$0xFFFFFFB0] =	vst v5;
	v4 =	vld [tilespmem:s24+$0x3E90]  }
0x157: {  	v0 =	vld [tilespmem:s1+$0x3EC0];
	[tilespmem:s20+$0xFFFFFFE0] =	vst v6  }
0x158: {  	s10 =	simm.s32 $0x9;
	s8 =	simm.s32 $0x6;
	[tilespmem:s23+$0x10] =	vst v7;
	v1 =	vld [tilespmem:s5+$0x3EF0]  }
.LBB2_6:
0x159: {  	v5 =	vld [tilespmem:s10+$0x0];
	[tilespmem:s22+$0x40] =	vst v2  }
0x15a: {  	v2 =	vld [tilespmem:s21+$0x3EA0];
	[tilespmem:s20+$0x70] =	vst v3  }
0x15b: {  	[tilespmem:s23+$0xFFFFFF90] =	vst v4;
	v3 =	vld [tilespmem:s2+$0x3ED0]  }
0x15c: {  	s8 =	sadd.s32 $0x2, s8;
	v4 =	vld [tilespmem:s10+$0xFFFFFFFF];
	s5 =	spop (v2sf);
	[tilespmem:s22+$0xFFFFFFC0] =	vst v0  }
0x15d: {  	p0 =	slt.u32 s8, $0x12E;
	s5 =	sshll.u32 s5, $0x9;
	v0 =	vld [tilespmem:s24+$0x3EA0];
	[tilespmem:s20+$0xFFFFFFF0] =	vst v1;
	s20 =	smov.u32 s22  }
0x15e: {  	s22 =	smov.u32 s23;
	s5 =	sshra.s32 s5, $0x2;
	s11 =	spop (v2sf);
	v1 =	vld [tilespmem:s1+$0x3ED0]  }
0x15f: {  	(v2sf) =	vpush v5, $0x0;
	s11 =	sshll.u32 s11, $0x9;
	v5 =	vld [tilespmem:s5+$0x3E80];
	[tilespmem:s23+$0x20] =	vst v2  }
0x160: {  	s11 =	sshra.s32 s11, $0x2;
	v2 =	vld [tilespmem:s21+$0x3EB0];
	[tilespmem:s20+$0x50] =	vst v3  }
0x161: {  	(v2sf) =	vpush v4, $0x0;
	v3 =	vld [tilespmem:s2+$0x3EE0]  }
0x162: {  	v4 =	vld [tilespmem:s11+$0x3E80];
	[tilespmem:s23+$0xFFFFFFA0] =	vst v0  }
0x163: {  	s23 =	sadd.s32 $0x100, s23;
	v0 =	vld [tilespmem:s24+$0x3EB0];
	[tilespmem:s20+$0xFFFFFFD0] =	vst v1  }
0x164: {  	[tilespmem:s23+$0x0] =	vst v5;
	v1 =	vld [tilespmem:s1+$0x3EE0]  }
0x165: {  	v5 =	vld [tilespmem:s5+$0x3E90];
	[tilespmem:s22+$0x30] =	vst v2  }
.Ltmp2:
0x166: {  	v2 =	vld [tilespmem:s21+$0x3EC0];
	[tilespmem:s20+$0x60] =	vst v3;
	(pc) =	sbr.rel @p0 .LBB2_6-.Ltmp2, $4  }
0x167: {  	[tilespmem:s23+$0xFFFFFF80] =	vst v4;
	v3 =	vld [tilespmem:s2+$0x3EF0];
	s2 =	smov.u32 s21;
	s21 =	smov.u32 s5  }
0x168: {  	v4 =	vld [tilespmem:s11+$0x3E90];
	[tilespmem:s22+$0xFFFFFFB0] =	vst v0  }
0x169: {  	v0 =	vld [tilespmem:s24+$0x3EC0];
	[tilespmem:s20+$0xFFFFFFE0] =	vst v1  }
0x16a: {  	s10 =	sadd.s32 $0x2, s10;
	[tilespmem:s23+$0x10] =	vst v5;
	v1 =	vld [tilespmem:s1+$0x3EF0];
	s1 =	smov.u32 s24;
	s24 =	smov.u32 s11  }
0x16b: {  	_ =	sdelay $0x3  }
0x16c: {  	s5 =	spop (v2sf)  }
0x16d: {  	s5 =	sshll.u32 s5, $0x9;
	s10 =	spop (v2sf)  }
0x16e: {  	s8 =	sshra.s32 s5, $0x2;
	s10 =	sshll.u32 s10, $0x9  }
0x16f: {  	v5 =	vld [tilespmem:s8+$0x3E80];
	s10 =	sshra.s32 s10, $0x2  }
0x170: {  	v6 =	vld [tilespmem:s10+$0x3E80];
	_ =	sdelay $0x2  }
0x171: {  	s11 =	sadd.s32 $0x100, s23  }
0x172: {  	[tilespmem:s11+$0x0] =	vst v5  }
0x173: {  	v5 =	vld [tilespmem:s8+$0x3E90];
	[tilespmem:s11+$0xFFFFFF80] =	vst v6  }
0x174: {  	v6 =	vld [tilespmem:s10+$0x3E90];
	_ =	sdelay $0x1  }
0x175: {  	v7 =	vld [tilespmem:s21+$0x3EA0];
	[tilespmem:s23+$0xFFFFFF90] =	vst v4  }
0x176: {  	v4 =	vld [tilespmem:s24+$0x3EA0]  }
0x177: {  	[tilespmem:s11+$0x10] =	vst v5  }
0x178: {  	v5 =	vld [tilespmem:s8+$0x3EA0];
	[tilespmem:s11+$0xFFFFFF90] =	vst v6  }
0x179: {  	v6 =	vld [tilespmem:s10+$0x3EA0]  }
0x17a: {  	[tilespmem:s23+$0x20] =	vst v7  }
0x17b: {  	[tilespmem:s23+$0xFFFFFFA0] =	vst v4;
	v4 =	vld [tilespmem:s21+$0x3EB0]  }
0x17c: {  	[tilespmem:s22+$0x40] =	vst v2  }
0x17d: {  	[tilespmem:s11+$0x20] =	vst v5;
	v5 =	vld [tilespmem:s24+$0x3EB0]  }
0x17e: {  	[tilespmem:s11+$0xFFFFFFA0] =	vst v6;
	v6 =	vld [tilespmem:s8+$0x3EB0]  }
0x17f: {  	[tilespmem:s20+$0x70] =	vst v3;
	v2 =	vld [tilespmem:s10+$0x3EB0]  }
0x180: {  	[tilespmem:s23+$0x30] =	vst v4  }
0x181: {  	[tilespmem:s22+$0xFFFFFFC0] =	vst v0;
	v3 =	vld [tilespmem:s21+$0x3EC0]  }
0x182: {  	[tilespmem:s23+$0xFFFFFFB0] =	vst v5  }
0x183: {  	v4 =	vld [tilespmem:s24+$0x3EC0];
	[tilespmem:s11+$0x30] =	vst v6  }
0x184: {  	v5 =	vld [tilespmem:s8+$0x3EC0];
	[tilespmem:s11+$0xFFFFFFB0] =	vst v2  }
0x185: {  	[tilespmem:s20+$0xFFFFFFF0] =	vst v1;
	v0 =	vld [tilespmem:s10+$0x3EC0]  }
0x186: {  	v1 =	vld [tilespmem:s1+$0x3ED0];
	[tilespmem:s23+$0x40] =	vst v3  }
0x187: {  	v3 =	vld [tilespmem:s21+$0x3ED0]  }
0x188: {  	v2 =	vld [tilespmem:s2+$0x3ED0];
	[tilespmem:s23+$0xFFFFFFC0] =	vst v4  }
0x189: {  	v4 =	vld [tilespmem:s24+$0x3ED0];
	[tilespmem:s11+$0x40] =	vst v5  }
0x18a: {  	v5 =	vld [tilespmem:s8+$0x3ED0];
	[tilespmem:s11+$0xFFFFFFC0] =	vst v0  }
0x18b: {  	[tilespmem:s22+$0xFFFFFFD0] =	vst v1;
	v0 =	vld [tilespmem:s10+$0x3ED0]  }
0x18c: {  	v1 =	vld [tilespmem:s1+$0x3EE0];
	[tilespmem:s23+$0x50] =	vst v3  }
0x18d: {  	v3 =	vld [tilespmem:s21+$0x3EE0];
	[tilespmem:s22+$0x50] =	vst v2  }
0x18e: {  	v2 =	vld [tilespmem:s2+$0x3EE0];
	[tilespmem:s23+$0xFFFFFFD0] =	vst v4  }
0x18f: {  	v4 =	vld [tilespmem:s24+$0x3EE0];
	[tilespmem:s11+$0x50] =	vst v5  }
0x190: {  	v5 =	vld [tilespmem:s8+$0x3EE0];
	[tilespmem:s11+$0xFFFFFFD0] =	vst v0  }
0x191: {  	[tilespmem:s22+$0xFFFFFFE0] =	vst v1;
	v0 =	vld [tilespmem:s10+$0x3EE0]  }
0x192: {  	v1 =	vld [tilespmem:s1+$0x3EF0];
	[tilespmem:s23+$0x60] =	vst v3  }
0x193: {  	v3 =	vld [tilespmem:s21+$0x3EF0];
	[tilespmem:s22+$0x60] =	vst v2  }
0x194: {  	v2 =	vld [tilespmem:s2+$0x3EF0];
	[tilespmem:s23+$0xFFFFFFE0] =	vst v4  }
0x195: {  	v4 =	vld [tilespmem:s24+$0x3EF0];
	[tilespmem:s11+$0x60] =	vst v5  }
0x196: {  	v5 =	vld [tilespmem:s8+$0x3EF0];
	[tilespmem:s11+$0xFFFFFFE0] =	vst v0  }
0x197: {  	[tilespmem:s22+$0xFFFFFFF0] =	vst v1;
	v0 =	vld [tilespmem:s10+$0x3EF0]  }
0x198: {  	[tilespmem:s23+$0x70] =	vst v3  }
0x199: {  	[tilespmem:s22+$0x70] =	vst v2  }
0x19a: {  	[tilespmem:s23+$0xFFFFFFF0] =	vst v4  }
0x19b: {  	[tilespmem:s11+$0x70] =	vst v5  }
0x19c: {  	[tilespmem:s11+$0xFFFFFFF0] =	vst v0  }
0x19d: {  	s20 =	rddreg [dreg:$0x6]  }
0x19e: {  	[hbm4b:s20+s18] =	stream.strided.scatter [tilespmem:s26], [sflag:$0x4], $0x9800, s19, s18, $0x38;
	[tilespmem:$0x1AA80] =	vst v63  }
0x19f: {  	_ =	swait.ge [sflag:s31], $0x9400  }
0x1a0: {  	[sflag:s31] =	ssyncset.done $0x0  }
0x1a1: {  	s21 =	simm.s32 $0x131;
	[sflag:s31] =	ssyncadd.s32 $0xFFFF6C00  }
0x1a2: {  	v0 =	vld [tilespmem:s21+$0x0];
	_ =	sdelay $0x2  }
0x1a3: {  	v1 =	vld [tilespmem:s21+$0xFFFFFFFF];
	_ =	sdelay $0x1  }
0x1a4: {  	(v2sf) =	vpush v0, $0x0;
	_ =	sdelay $0x2  }
0x1a5: {  	(v2sf) =	vpush v1, $0x0;
	_ =	sdelay $0x7  }
0x1a6: {  	s22 =	simm.s32 $0x133  }
0x1a7: {  	v0 =	vld [tilespmem:s22+$0x0];
	_ =	sdelay $0x2  }
0x1a8: {  	v1 =	vld [tilespmem:s22+$0xFFFFFFFF];
	s23 =	spop (v2sf)  }
0x1a9: {  	s1 =	sshll.u32 s23, $0x9  }
0x1aa: {  	(v2sf) =	vpush v0, $0x0;
	s8 =	sshra.s32 s1, $0x2  }
0x1ab: {  	s24 =	spop (v2sf);
	v0 =	vld [tilespmem:s8+$0x3E80]  }
0x1ac: {  	s1 =	sshll.u32 s24, $0x9  }
0x1ad: {  	(v2sf) =	vpush v1, $0x0;
	s5 =	sshra.s32 s1, $0x2  }
0x1ae: {  	v1 =	vld [tilespmem:s5+$0x3E80]  }
0x1af: {  	s20 =	simm.s32 $0x11300  }
0x1b0: {  	[tilespmem:s20+$0x0] =	vst v0  }
0x1b1: {  	v0 =	vld [tilespmem:s8+$0x3E90];
	_ =	sdelay $0x1  }
0x1b2: {  	[tilespmem:s20+$0xFFFFFF80] =	vst v1  }
0x1b3: {  	v1 =	vld [tilespmem:s5+$0x3E90]  }
0x1b4: {  	s2 =	simm.s32 $0x135  }
0x1b5: {  	[tilespmem:s20+$0x10] =	vst v0;
	v0 =	vld [tilespmem:s2+$0x0]  }
0x1b6: {  	v2 =	vld [tilespmem:s8+$0x3EA0];
	_ =	sdelay $0x1  }
0x1b7: {  	[tilespmem:s20+$0xFFFFFF90] =	vst v1;
	v1 =	vld [tilespmem:s2+$0xFFFFFFFF];
	s10 =	spop (v2sf)  }
0x1b8: {  	s1 =	sshll.u32 s10, $0x9;
	v3 =	vld [tilespmem:s5+$0x3EA0]  }
0x1b9: {  	s2 =	sshra.s32 s1, $0x2;
	(v2sf) =	vpush v0, $0x0  }
0x1ba: {  	s11 =	spop (v2sf);
	v0 =	vld [tilespmem:s2+$0x3E80];
	[tilespmem:s20+$0x20] =	vst v2  }
0x1bb: {  	s1 =	sshll.u32 s11, $0x9;
	v2 =	vld [tilespmem:s8+$0x3EB0]  }
0x1bc: {  	s1 =	sshra.s32 s1, $0x2;
	(v2sf) =	vpush v1, $0x0  }
0x1bd: {  	v1 =	vld [tilespmem:s1+$0x3E80];
	[tilespmem:s20+$0xFFFFFFA0] =	vst v3  }
0x1be: {  	s22 =	simm.s32 $0x11400;
	v3 =	vld [tilespmem:s5+$0x3EB0]  }
0x1bf: {  	[tilespmem:s22+$0x0] =	vst v0  }
0x1c0: {  	v0 =	vld [tilespmem:s2+$0x3E90];
	[tilespmem:s20+$0x30] =	vst v2  }
0x1c1: {  	v2 =	vld [tilespmem:s8+$0x3EC0]  }
0x1c2: {  	[tilespmem:s22+$0xFFFFFF80] =	vst v1  }
0x1c3: {  	v1 =	vld [tilespmem:s1+$0x3E90];
	[tilespmem:s20+$0xFFFFFFB0] =	vst v3  }
0x1c4: {  	s21 =	simm.s32 $0x137;
	v3 =	vld [tilespmem:s5+$0x3EC0]  }
0x1c5: {  	[tilespmem:s22+$0x10] =	vst v0;
	v0 =	vld [tilespmem:s21+$0x0]  }
0x1c6: {  	[tilespmem:s20+$0x40] =	vst v2;
	v2 =	vld [tilespmem:s2+$0x3EA0]  }
0x1c7: {  	v4 =	vld [tilespmem:s8+$0x3ED0]  }
0x1c8: {  	[tilespmem:s22+$0xFFFFFF90] =	vst v1;
	v1 =	vld [tilespmem:s21+$0xFFFFFFFF];
	s23 =	spop (v2sf)  }
0x1c9: {  	[tilespmem:s20+$0xFFFFFFC0] =	vst v3;
	v3 =	vld [tilespmem:s1+$0x3EA0];
	s10 =	sshll.u32 s23, $0x9  }
0x1ca: {  	v5 =	vld [tilespmem:s5+$0x3ED0];
	s21 =	sshra.s32 s10, $0x2  }
0x1cb: {  	s24 =	spop (v2sf);
	(v2sf) =	vpush v0, $0x0;
	v6 =	vld [tilespmem:s21+$0x3E80];
	[tilespmem:s22+$0x20] =	vst v2  }
0x1cc: {  	s10 =	sshll.u32 s24, $0x9;
	v2 =	vld [tilespmem:s2+$0x3EB0];
	[tilespmem:s20+$0x50] =	vst v4  }
0x1cd: {  	(v2sf) =	vpush v1, $0x0;
	s24 =	sshra.s32 s10, $0x2;
	v4 =	vld [tilespmem:s8+$0x3EE0]  }
0x1ce: {  	[tilespmem:s22+$0xFFFFFFA0] =	vst v3;
	v3 =	vld [tilespmem:s24+$0x3E80]  }
0x1cf: {  	s23 =	simm.s32 $0x11500;
	[tilespmem:s20+$0xFFFFFFD0] =	vst v5;
	v5 =	vld [tilespmem:s1+$0x3EB0]  }
0x1d0: {  	[tilespmem:s23+$0x0] =	vst v6;
	v6 =	vld [tilespmem:s5+$0x3EE0]  }
0x1d1: {  	[tilespmem:s22+$0x30] =	vst v2;
	v7 =	vld [tilespmem:s21+$0x3E90]  }
0x1d2: {  	[tilespmem:s20+$0x60] =	vst v4;
	v2 =	vld [tilespmem:s2+$0x3EC0]  }
0x1d3: {  	[tilespmem:s23+$0xFFFFFF80] =	vst v3;
	v3 =	vld [tilespmem:s8+$0x3EF0]  }
0x1d4: {  	[tilespmem:s22+$0xFFFFFFB0] =	vst v5;
	v4 =	vld [tilespmem:s24+$0x3E90]  }
0x1d5: {  	v0 =	vld [tilespmem:s1+$0x3EC0];
	[tilespmem:s20+$0xFFFFFFE0] =	vst v6  }
0x1d6: {  	s10 =	simm.s32 $0x139;
	s8 =	simm.s32 $0x6;
	[tilespmem:s23+$0x10] =	vst v7;
	v1 =	vld [tilespmem:s5+$0x3EF0]  }
.LBB2_8:
0x1d7: {  	v5 =	vld [tilespmem:s10+$0x0];
	[tilespmem:s22+$0x40] =	vst v2  }
0x1d8: {  	v2 =	vld [tilespmem:s21+$0x3EA0];
	[tilespmem:s20+$0x70] =	vst v3  }
0x1d9: {  	[tilespmem:s23+$0xFFFFFF90] =	vst v4;
	v3 =	vld [tilespmem:s2+$0x3ED0]  }
0x1da: {  	s8 =	sadd.s32 $0x2, s8;
	v4 =	vld [tilespmem:s10+$0xFFFFFFFF];
	s5 =	spop (v2sf);
	[tilespmem:s22+$0xFFFFFFC0] =	vst v0  }
0x1db: {  	p0 =	slt.u32 s8, $0x126;
	s5 =	sshll.u32 s5, $0x9;
	v0 =	vld [tilespmem:s24+$0x3EA0];
	[tilespmem:s20+$0xFFFFFFF0] =	vst v1;
	s20 =	smov.u32 s22  }
0x1dc: {  	s22 =	smov.u32 s23;
	s5 =	sshra.s32 s5, $0x2;
	s11 =	spop (v2sf);
	v1 =	vld [tilespmem:s1+$0x3ED0]  }
0x1dd: {  	(v2sf) =	vpush v5, $0x0;
	s11 =	sshll.u32 s11, $0x9;
	v5 =	vld [tilespmem:s5+$0x3E80];
	[tilespmem:s23+$0x20] =	vst v2  }
0x1de: {  	s11 =	sshra.s32 s11, $0x2;
	v2 =	vld [tilespmem:s21+$0x3EB0];
	[tilespmem:s20+$0x50] =	vst v3  }
0x1df: {  	(v2sf) =	vpush v4, $0x0;
	v3 =	vld [tilespmem:s2+$0x3EE0]  }
0x1e0: {  	v4 =	vld [tilespmem:s11+$0x3E80];
	[tilespmem:s23+$0xFFFFFFA0] =	vst v0  }
0x1e1: {  	s23 =	sadd.s32 $0x100, s23;
	v0 =	vld [tilespmem:s24+$0x3EB0];
	[tilespmem:s20+$0xFFFFFFD0] =	vst v1  }
0x1e2: {  	[tilespmem:s23+$0x0] =	vst v5;
	v1 =	vld [tilespmem:s1+$0x3EE0]  }
0x1e3: {  	v5 =	vld [tilespmem:s5+$0x3E90];
	[tilespmem:s22+$0x30] =	vst v2  }
.Ltmp3:
0x1e4: {  	v2 =	vld [tilespmem:s21+$0x3EC0];
	[tilespmem:s20+$0x60] =	vst v3;
	(pc) =	sbr.rel @p0 .LBB2_8-.Ltmp3, $4  }
0x1e5: {  	[tilespmem:s23+$0xFFFFFF80] =	vst v4;
	v3 =	vld [tilespmem:s2+$0x3EF0];
	s2 =	smov.u32 s21;
	s21 =	smov.u32 s5  }
0x1e6: {  	v4 =	vld [tilespmem:s11+$0x3E90];
	[tilespmem:s22+$0xFFFFFFB0] =	vst v0  }
0x1e7: {  	v0 =	vld [tilespmem:s24+$0x3EC0];
	[tilespmem:s20+$0xFFFFFFE0] =	vst v1  }
0x1e8: {  	s10 =	sadd.s32 $0x2, s10;
	[tilespmem:s23+$0x10] =	vst v5;
	v1 =	vld [tilespmem:s1+$0x3EF0];
	s1 =	smov.u32 s24;
	s24 =	smov.u32 s11  }
0x1e9: {  	_ =	sdelay $0x3  }
0x1ea: {  	s5 =	spop (v2sf)  }
0x1eb: {  	s5 =	sshll.u32 s5, $0x9;
	s10 =	spop (v2sf)  }
0x1ec: {  	s8 =	sshra.s32 s5, $0x2;
	s10 =	sshll.u32 s10, $0x9  }
0x1ed: {  	v5 =	vld [tilespmem:s8+$0x3E80];
	s10 =	sshra.s32 s10, $0x2  }
0x1ee: {  	v6 =	vld [tilespmem:s10+$0x3E80];
	_ =	sdelay $0x2  }
0x1ef: {  	s11 =	sadd.s32 $0x100, s23  }
0x1f0: {  	[tilespmem:s11+$0x0] =	vst v5  }
0x1f1: {  	v5 =	vld [tilespmem:s8+$0x3E90];
	[tilespmem:s11+$0xFFFFFF80] =	vst v6  }
0x1f2: {  	v6 =	vld [tilespmem:s10+$0x3E90];
	_ =	sdelay $0x1  }
0x1f3: {  	v7 =	vld [tilespmem:s21+$0x3EA0];
	[tilespmem:s23+$0xFFFFFF90] =	vst v4  }
0x1f4: {  	v4 =	vld [tilespmem:s24+$0x3EA0]  }
0x1f5: {  	[tilespmem:s11+$0x10] =	vst v5  }
0x1f6: {  	v5 =	vld [tilespmem:s8+$0x3EA0];
	[tilespmem:s11+$0xFFFFFF90] =	vst v6  }
0x1f7: {  	v6 =	vld [tilespmem:s10+$0x3EA0]  }
0x1f8: {  	[tilespmem:s23+$0x20] =	vst v7  }
0x1f9: {  	[tilespmem:s23+$0xFFFFFFA0] =	vst v4;
	v4 =	vld [tilespmem:s21+$0x3EB0]  }
0x1fa: {  	[tilespmem:s22+$0x40] =	vst v2  }
0x1fb: {  	[tilespmem:s11+$0x20] =	vst v5;
	v5 =	vld [tilespmem:s24+$0x3EB0]  }
0x1fc: {  	[tilespmem:s11+$0xFFFFFFA0] =	vst v6;
	v6 =	vld [tilespmem:s8+$0x3EB0]  }
0x1fd: {  	[tilespmem:s20+$0x70] =	vst v3;
	v2 =	vld [tilespmem:s10+$0x3EB0]  }
0x1fe: {  	[tilespmem:s23+$0x30] =	vst v4  }
0x1ff: {  	[tilespmem:s22+$0xFFFFFFC0] =	vst v0;
	v3 =	vld [tilespmem:s21+$0x3EC0]  }
0x200: {  	[tilespmem:s23+$0xFFFFFFB0] =	vst v5  }
0x201: {  	v4 =	vld [tilespmem:s24+$0x3EC0];
	[tilespmem:s11+$0x30] =	vst v6  }
0x202: {  	v5 =	vld [tilespmem:s8+$0x3EC0];
	[tilespmem:s11+$0xFFFFFFB0] =	vst v2  }
0x203: {  	[tilespmem:s20+$0xFFFFFFF0] =	vst v1;
	v0 =	vld [tilespmem:s10+$0x3EC0]  }
0x204: {  	v1 =	vld [tilespmem:s1+$0x3ED0];
	[tilespmem:s23+$0x40] =	vst v3  }
0x205: {  	v3 =	vld [tilespmem:s21+$0x3ED0]  }
0x206: {  	v2 =	vld [tilespmem:s2+$0x3ED0];
	[tilespmem:s23+$0xFFFFFFC0] =	vst v4  }
0x207: {  	v4 =	vld [tilespmem:s24+$0x3ED0];
	[tilespmem:s11+$0x40] =	vst v5  }
0x208: {  	v5 =	vld [tilespmem:s8+$0x3ED0];
	[tilespmem:s11+$0xFFFFFFC0] =	vst v0  }
0x209: {  	[tilespmem:s22+$0xFFFFFFD0] =	vst v1;
	v0 =	vld [tilespmem:s10+$0x3ED0]  }
0x20a: {  	v1 =	vld [tilespmem:s1+$0x3EE0];
	[tilespmem:s23+$0x50] =	vst v3  }
0x20b: {  	v3 =	vld [tilespmem:s21+$0x3EE0];
	[tilespmem:s22+$0x50] =	vst v2  }
0x20c: {  	v2 =	vld [tilespmem:s2+$0x3EE0];
	[tilespmem:s23+$0xFFFFFFD0] =	vst v4  }
0x20d: {  	v4 =	vld [tilespmem:s24+$0x3EE0];
	[tilespmem:s11+$0x50] =	vst v5  }
0x20e: {  	v5 =	vld [tilespmem:s8+$0x3EE0];
	[tilespmem:s11+$0xFFFFFFD0] =	vst v0  }
0x20f: {  	[tilespmem:s22+$0xFFFFFFE0] =	vst v1;
	v0 =	vld [tilespmem:s10+$0x3EE0]  }
0x210: {  	v1 =	vld [tilespmem:s1+$0x3EF0];
	[tilespmem:s23+$0x60] =	vst v3  }
0x211: {  	v3 =	vld [tilespmem:s21+$0x3EF0];
	[tilespmem:s22+$0x60] =	vst v2  }
0x212: {  	v2 =	vld [tilespmem:s2+$0x3EF0];
	[tilespmem:s23+$0xFFFFFFE0] =	vst v4  }
0x213: {  	v4 =	vld [tilespmem:s24+$0x3EF0];
	[tilespmem:s11+$0x60] =	vst v5  }
0x214: {  	v5 =	vld [tilespmem:s8+$0x3EF0];
	[tilespmem:s11+$0xFFFFFFE0] =	vst v0  }
0x215: {  	[tilespmem:s22+$0xFFFFFFF0] =	vst v1;
	v0 =	vld [tilespmem:s10+$0x3EF0]  }
0x216: {  	[tilespmem:s23+$0x70] =	vst v3  }
0x217: {  	[tilespmem:s22+$0x70] =	vst v2  }
0x218: {  	[tilespmem:s23+$0xFFFFFFF0] =	vst v4  }
0x219: {  	[tilespmem:s11+$0x70] =	vst v5  }
0x21a: {  	[tilespmem:s11+$0xFFFFFFF0] =	vst v0  }
0x21b: {  	s8 =	rddreg [dreg:$0x7]  }
0x21c: {  	[hbm4b:s8+s18] =	stream.strided.scatter [tilespmem:s28], [sflag:$0x5], $0x9400, s19, s18, $0x38;
	[tilespmem:$0x1AA80] =	vst v63  }
0x21d: {  	s10 =	simm.s32 $0x3E80  }
0x21e: {  	[tilespmem:s10], [sflag:$0x3] =	stream.strided.gather [hbm4b:s12+s18], $0x3800, s19, s18, $0x38;
	[tilespmem:$0x1AA80] =	vst v63  }
0x21f: {  	s20 =	simm.s32 $0x7680;
	s11 =	sadd.s32 $0x38000, s12  }
0x220: {  	[tilespmem:s20], [sflag:$0x3] =	stream.linear.gather [hbm4b:s11+s3], $0x280, $0x38;
	[tilespmem:$0x1AA80] =	vst v63  }
0x221: {  	_ =	swait.ge [sflag:s25], $0x3A80  }
0x222: {  	[sflag:s25] =	ssyncset.done $0x0  }
0x223: {  	[sflag:s25] =	ssyncadd.s32 $0xFFFFC580  }
0x224: {  	_ =	swait.ge [sflag:s30], $0x9800  }
0x225: {  	[sflag:s30] =	ssyncset.done $0x0  }
0x226: {  	s21 =	simm.s32 $0x1;
	[sflag:s30] =	ssyncadd.s32 $0xFFFF6800  }
0x227: {  	v0 =	vld [tilespmem:s21+$0x0];
	_ =	sdelay $0x2  }
0x228: {  	v1 =	vld [tilespmem:s21+$0xFFFFFFFF];
	_ =	sdelay $0x1  }
0x229: {  	(v2sf) =	vpush v0, $0x0;
	_ =	sdelay $0x2  }
0x22a: {  	(v2sf) =	vpush v1, $0x0;
	_ =	sdelay $0x7  }
0x22b: {  	s22 =	simm.s32 $0x3  }
0x22c: {  	v0 =	vld [tilespmem:s22+$0x0];
	_ =	sdelay $0x2  }
0x22d: {  	v1 =	vld [tilespmem:s22+$0xFFFFFFFF];
	s23 =	spop (v2sf)  }
0x22e: {  	s1 =	sshll.u32 s23, $0x9  }
0x22f: {  	(v2sf) =	vpush v0, $0x0;
	s8 =	sshra.s32 s1, $0x2  }
0x230: {  	s24 =	spop (v2sf);
	v0 =	vld [tilespmem:s8+$0x280]  }
0x231: {  	s1 =	sshll.u32 s24, $0x9  }
0x232: {  	(v2sf) =	vpush v1, $0x0;
	s5 =	sshra.s32 s1, $0x2  }
0x233: {  	v1 =	vld [tilespmem:s5+$0x280]  }
0x234: {  	s20 =	simm.s32 $0x7B00  }
0x235: {  	[tilespmem:s20+$0x0] =	vst v0  }
0x236: {  	v0 =	vld [tilespmem:s8+$0x290];
	_ =	sdelay $0x1  }
0x237: {  	[tilespmem:s20+$0xFFFFFF80] =	vst v1  }
0x238: {  	v1 =	vld [tilespmem:s5+$0x290]  }
0x239: {  	s2 =	simm.s32 $0x5  }
0x23a: {  	[tilespmem:s20+$0x10] =	vst v0;
	v0 =	vld [tilespmem:s2+$0x0]  }
0x23b: {  	v2 =	vld [tilespmem:s8+$0x2A0];
	_ =	sdelay $0x1  }
0x23c: {  	[tilespmem:s20+$0xFFFFFF90] =	vst v1;
	v1 =	vld [tilespmem:s2+$0xFFFFFFFF];
	s10 =	spop (v2sf)  }
0x23d: {  	s1 =	sshll.u32 s10, $0x9;
	v3 =	vld [tilespmem:s5+$0x2A0]  }
0x23e: {  	s2 =	sshra.s32 s1, $0x2;
	(v2sf) =	vpush v0, $0x0  }
0x23f: {  	s11 =	spop (v2sf);
	v0 =	vld [tilespmem:s2+$0x280];
	[tilespmem:s20+$0x20] =	vst v2  }
0x240: {  	s1 =	sshll.u32 s11, $0x9;
	v2 =	vld [tilespmem:s8+$0x2B0]  }
0x241: {  	s1 =	sshra.s32 s1, $0x2;
	(v2sf) =	vpush v1, $0x0  }
0x242: {  	v1 =	vld [tilespmem:s1+$0x280];
	[tilespmem:s20+$0xFFFFFFA0] =	vst v3  }
0x243: {  	s22 =	simm.s32 $0x7C00;
	v3 =	vld [tilespmem:s5+$0x2B0]  }
0x244: {  	[tilespmem:s22+$0x0] =	vst v0  }
0x245: {  	v0 =	vld [tilespmem:s2+$0x290];
	[tilespmem:s20+$0x30] =	vst v2  }
0x246: {  	v2 =	vld [tilespmem:s8+$0x2C0]  }
0x247: {  	[tilespmem:s22+$0xFFFFFF80] =	vst v1  }
0x248: {  	v1 =	vld [tilespmem:s1+$0x290];
	[tilespmem:s20+$0xFFFFFFB0] =	vst v3  }
0x249: {  	s21 =	simm.s32 $0x7;
	v3 =	vld [tilespmem:s5+$0x2C0]  }
0x24a: {  	[tilespmem:s22+$0x10] =	vst v0;
	v0 =	vld [tilespmem:s21+$0x0]  }
0x24b: {  	[tilespmem:s20+$0x40] =	vst v2;
	v2 =	vld [tilespmem:s2+$0x2A0]  }
0x24c: {  	v4 =	vld [tilespmem:s8+$0x2D0]  }
0x24d: {  	[tilespmem:s22+$0xFFFFFF90] =	vst v1;
	v1 =	vld [tilespmem:s21+$0xFFFFFFFF];
	s23 =	spop (v2sf)  }
0x24e: {  	[tilespmem:s20+$0xFFFFFFC0] =	vst v3;
	v3 =	vld [tilespmem:s1+$0x2A0];
	s10 =	sshll.u32 s23, $0x9  }
0x24f: {  	v5 =	vld [tilespmem:s5+$0x2D0];
	s21 =	sshra.s32 s10, $0x2  }
0x250: {  	s24 =	spop (v2sf);
	(v2sf) =	vpush v0, $0x0;
	v6 =	vld [tilespmem:s21+$0x280];
	[tilespmem:s22+$0x20] =	vst v2  }
0x251: {  	s10 =	sshll.u32 s24, $0x9;
	v2 =	vld [tilespmem:s2+$0x2B0];
	[tilespmem:s20+$0x50] =	vst v4  }
0x252: {  	(v2sf) =	vpush v1, $0x0;
	s24 =	sshra.s32 s10, $0x2;
	v4 =	vld [tilespmem:s8+$0x2E0]  }
0x253: {  	[tilespmem:s22+$0xFFFFFFA0] =	vst v3;
	v3 =	vld [tilespmem:s24+$0x280]  }
0x254: {  	s23 =	simm.s32 $0x7D00;
	[tilespmem:s20+$0xFFFFFFD0] =	vst v5;
	v5 =	vld [tilespmem:s1+$0x2B0]  }
0x255: {  	[tilespmem:s23+$0x0] =	vst v6;
	v6 =	vld [tilespmem:s5+$0x2E0]  }
0x256: {  	[tilespmem:s22+$0x30] =	vst v2;
	v7 =	vld [tilespmem:s21+$0x290]  }
0x257: {  	[tilespmem:s20+$0x60] =	vst v4;
	v2 =	vld [tilespmem:s2+$0x2C0]  }
0x258: {  	[tilespmem:s23+$0xFFFFFF80] =	vst v3;
	v3 =	vld [tilespmem:s8+$0x2F0]  }
0x259: {  	[tilespmem:s22+$0xFFFFFFB0] =	vst v5;
	v4 =	vld [tilespmem:s24+$0x290]  }
0x25a: {  	v0 =	vld [tilespmem:s1+$0x2C0];
	[tilespmem:s20+$0xFFFFFFE0] =	vst v6  }
0x25b: {  	s10 =	simm.s32 $0x9;
	s8 =	simm.s32 $0x6;
	[tilespmem:s23+$0x10] =	vst v7;
	v1 =	vld [tilespmem:s5+$0x2F0]  }
.LBB2_10:
0x25c: {  	v5 =	vld [tilespmem:s10+$0x0];
	[tilespmem:s22+$0x40] =	vst v2  }
0x25d: {  	v2 =	vld [tilespmem:s21+$0x2A0];
	[tilespmem:s20+$0x70] =	vst v3  }
0x25e: {  	[tilespmem:s23+$0xFFFFFF90] =	vst v4;
	v3 =	vld [tilespmem:s2+$0x2D0]  }
0x25f: {  	s8 =	sadd.s32 $0x2, s8;
	v4 =	vld [tilespmem:s10+$0xFFFFFFFF];
	s5 =	spop (v2sf);
	[tilespmem:s22+$0xFFFFFFC0] =	vst v0  }
0x260: {  	p0 =	slt.u32 s8, $0x12E;
	s5 =	sshll.u32 s5, $0x9;
	v0 =	vld [tilespmem:s24+$0x2A0];
	[tilespmem:s20+$0xFFFFFFF0] =	vst v1;
	s20 =	smov.u32 s22  }
0x261: {  	s22 =	smov.u32 s23;
	s5 =	sshra.s32 s5, $0x2;
	s11 =	spop (v2sf);
	v1 =	vld [tilespmem:s1+$0x2D0]  }
0x262: {  	(v2sf) =	vpush v5, $0x0;
	s11 =	sshll.u32 s11, $0x9;
	v5 =	vld [tilespmem:s5+$0x280];
	[tilespmem:s23+$0x20] =	vst v2  }
0x263: {  	s11 =	sshra.s32 s11, $0x2;
	v2 =	vld [tilespmem:s21+$0x2B0];
	[tilespmem:s20+$0x50] =	vst v3  }
0x264: {  	(v2sf) =	vpush v4, $0x0;
	v3 =	vld [tilespmem:s2+$0x2E0]  }
0x265: {  	v4 =	vld [tilespmem:s11+$0x280];
	[tilespmem:s23+$0xFFFFFFA0] =	vst v0  }
0x266: {  	s23 =	sadd.s32 $0x100, s23;
	v0 =	vld [tilespmem:s24+$0x2B0];
	[tilespmem:s20+$0xFFFFFFD0] =	vst v1  }
0x267: {  	[tilespmem:s23+$0x0] =	vst v5;
	v1 =	vld [tilespmem:s1+$0x2E0]  }
0x268: {  	v5 =	vld [tilespmem:s5+$0x290];
	[tilespmem:s22+$0x30] =	vst v2  }
.Ltmp4:
0x269: {  	v2 =	vld [tilespmem:s21+$0x2C0];
	[tilespmem:s20+$0x60] =	vst v3;
	(pc) =	sbr.rel @p0 .LBB2_10-.Ltmp4, $4  }
0x26a: {  	[tilespmem:s23+$0xFFFFFF80] =	vst v4;
	v3 =	vld [tilespmem:s2+$0x2F0];
	s2 =	smov.u32 s21;
	s21 =	smov.u32 s5  }
0x26b: {  	v4 =	vld [tilespmem:s11+$0x290];
	[tilespmem:s22+$0xFFFFFFB0] =	vst v0  }
0x26c: {  	v0 =	vld [tilespmem:s24+$0x2C0];
	[tilespmem:s20+$0xFFFFFFE0] =	vst v1  }
0x26d: {  	s10 =	sadd.s32 $0x2, s10;
	[tilespmem:s23+$0x10] =	vst v5;
	v1 =	vld [tilespmem:s1+$0x2F0];
	s1 =	smov.u32 s24;
	s24 =	smov.u32 s11  }
0x26e: {  	_ =	sdelay $0x3  }
0x26f: {  	s5 =	spop (v2sf)  }
0x270: {  	s5 =	sshll.u32 s5, $0x9;
	s10 =	spop (v2sf)  }
0x271: {  	s8 =	sshra.s32 s5, $0x2;
	s10 =	sshll.u32 s10, $0x9  }
0x272: {  	v5 =	vld [tilespmem:s8+$0x280];
	s10 =	sshra.s32 s10, $0x2  }
0x273: {  	v6 =	vld [tilespmem:s10+$0x280];
	_ =	sdelay $0x2  }
0x274: {  	s11 =	sadd.s32 $0x100, s23  }
0x275: {  	[tilespmem:s11+$0x0] =	vst v5  }
0x276: {  	v5 =	vld [tilespmem:s8+$0x290];
	[tilespmem:s11+$0xFFFFFF80] =	vst v6  }
0x277: {  	v6 =	vld [tilespmem:s10+$0x290];
	_ =	sdelay $0x1  }
0x278: {  	v7 =	vld [tilespmem:s21+$0x2A0];
	[tilespmem:s23+$0xFFFFFF90] =	vst v4  }
0x279: {  	v4 =	vld [tilespmem:s24+$0x2A0]  }
0x27a: {  	[tilespmem:s11+$0x10] =	vst v5  }
0x27b: {  	v5 =	vld [tilespmem:s8+$0x2A0];
	[tilespmem:s11+$0xFFFFFF90] =	vst v6  }
0x27c: {  	v6 =	vld [tilespmem:s10+$0x2A0]  }
0x27d: {  	[tilespmem:s23+$0x20] =	vst v7  }
0x27e: {  	[tilespmem:s23+$0xFFFFFFA0] =	vst v4;
	v4 =	vld [tilespmem:s21+$0x2B0]  }
0x27f: {  	[tilespmem:s22+$0x40] =	vst v2  }
0x280: {  	[tilespmem:s11+$0x20] =	vst v5;
	v5 =	vld [tilespmem:s24+$0x2B0]  }
0x281: {  	[tilespmem:s11+$0xFFFFFFA0] =	vst v6;
	v6 =	vld [tilespmem:s8+$0x2B0]  }
0x282: {  	[tilespmem:s20+$0x70] =	vst v3;
	v2 =	vld [tilespmem:s10+$0x2B0]  }
0x283: {  	[tilespmem:s23+$0x30] =	vst v4  }
0x284: {  	[tilespmem:s22+$0xFFFFFFC0] =	vst v0;
	v3 =	vld [tilespmem:s21+$0x2C0]  }
0x285: {  	[tilespmem:s23+$0xFFFFFFB0] =	vst v5  }
0x286: {  	v4 =	vld [tilespmem:s24+$0x2C0];
	[tilespmem:s11+$0x30] =	vst v6  }
0x287: {  	v5 =	vld [tilespmem:s8+$0x2C0];
	[tilespmem:s11+$0xFFFFFFB0] =	vst v2  }
0x288: {  	[tilespmem:s20+$0xFFFFFFF0] =	vst v1;
	v0 =	vld [tilespmem:s10+$0x2C0]  }
0x289: {  	v1 =	vld [tilespmem:s1+$0x2D0];
	[tilespmem:s23+$0x40] =	vst v3  }
0x28a: {  	v3 =	vld [tilespmem:s21+$0x2D0]  }
0x28b: {  	v2 =	vld [tilespmem:s2+$0x2D0];
	[tilespmem:s23+$0xFFFFFFC0] =	vst v4  }
0x28c: {  	v4 =	vld [tilespmem:s24+$0x2D0];
	[tilespmem:s11+$0x40] =	vst v5  }
0x28d: {  	v5 =	vld [tilespmem:s8+$0x2D0];
	[tilespmem:s11+$0xFFFFFFC0] =	vst v0  }
0x28e: {  	[tilespmem:s22+$0xFFFFFFD0] =	vst v1;
	v0 =	vld [tilespmem:s10+$0x2D0]  }
0x28f: {  	v1 =	vld [tilespmem:s1+$0x2E0];
	[tilespmem:s23+$0x50] =	vst v3  }
0x290: {  	v3 =	vld [tilespmem:s21+$0x2E0];
	[tilespmem:s22+$0x50] =	vst v2  }
0x291: {  	v2 =	vld [tilespmem:s2+$0x2E0];
	[tilespmem:s23+$0xFFFFFFD0] =	vst v4  }
0x292: {  	v4 =	vld [tilespmem:s24+$0x2E0];
	[tilespmem:s11+$0x50] =	vst v5  }
0x293: {  	v5 =	vld [tilespmem:s8+$0x2E0];
	[tilespmem:s11+$0xFFFFFFD0] =	vst v0  }
0x294: {  	[tilespmem:s22+$0xFFFFFFE0] =	vst v1;
	v0 =	vld [tilespmem:s10+$0x2E0]  }
0x295: {  	v1 =	vld [tilespmem:s1+$0x2F0];
	[tilespmem:s23+$0x60] =	vst v3  }
0x296: {  	v3 =	vld [tilespmem:s21+$0x2F0];
	[tilespmem:s22+$0x60] =	vst v2  }
0x297: {  	v2 =	vld [tilespmem:s2+$0x2F0];
	[tilespmem:s23+$0xFFFFFFE0] =	vst v4  }
0x298: {  	v4 =	vld [tilespmem:s24+$0x2F0];
	[tilespmem:s11+$0x60] =	vst v5  }
0x299: {  	v5 =	vld [tilespmem:s8+$0x2F0];
	[tilespmem:s11+$0xFFFFFFE0] =	vst v0  }
0x29a: {  	[tilespmem:s22+$0xFFFFFFF0] =	vst v1;
	v0 =	vld [tilespmem:s10+$0x2F0]  }
0x29b: {  	[tilespmem:s23+$0x70] =	vst v3  }
0x29c: {  	[tilespmem:s22+$0x70] =	vst v2  }
0x29d: {  	[tilespmem:s23+$0xFFFFFFF0] =	vst v4  }
0x29e: {  	[tilespmem:s11+$0x70] =	vst v5  }
0x29f: {  	[tilespmem:s11+$0xFFFFFFF0] =	vst v0  }
0x2a0: {  	[hbm4b:s13+s18] =	stream.strided.scatter [tilespmem:s26], [sflag:$0x4], $0x9800, s19, s18, $0x38;
	[tilespmem:$0x1AA80] =	vst v63  }
0x2a1: {  	_ =	swait.ge [sflag:s31], $0x9400  }
0x2a2: {  	[sflag:s31] =	ssyncset.done $0x0  }
0x2a3: {  	s21 =	simm.s32 $0x131;
	[sflag:s31] =	ssyncadd.s32 $0xFFFF6C00  }
0x2a4: {  	v0 =	vld [tilespmem:s21+$0x0];
	_ =	sdelay $0x2  }
0x2a5: {  	v1 =	vld [tilespmem:s21+$0xFFFFFFFF];
	_ =	sdelay $0x1  }
0x2a6: {  	(v2sf) =	vpush v0, $0x0;
	_ =	sdelay $0x2  }
0x2a7: {  	(v2sf) =	vpush v1, $0x0;
	_ =	sdelay $0x7  }
0x2a8: {  	s22 =	simm.s32 $0x133  }
0x2a9: {  	v0 =	vld [tilespmem:s22+$0x0];
	_ =	sdelay $0x2  }
0x2aa: {  	v1 =	vld [tilespmem:s22+$0xFFFFFFFF];
	s23 =	spop (v2sf)  }
0x2ab: {  	s1 =	sshll.u32 s23, $0x9  }
0x2ac: {  	(v2sf) =	vpush v0, $0x0;
	s8 =	sshra.s32 s1, $0x2  }
0x2ad: {  	s24 =	spop (v2sf);
	v0 =	vld [tilespmem:s8+$0x280]  }
0x2ae: {  	s1 =	sshll.u32 s24, $0x9  }
0x2af: {  	(v2sf) =	vpush v1, $0x0;
	s5 =	sshra.s32 s1, $0x2  }
0x2b0: {  	v1 =	vld [tilespmem:s5+$0x280]  }
0x2b1: {  	s20 =	simm.s32 $0x11300  }
0x2b2: {  	[tilespmem:s20+$0x0] =	vst v0  }
0x2b3: {  	v0 =	vld [tilespmem:s8+$0x290];
	_ =	sdelay $0x1  }
0x2b4: {  	[tilespmem:s20+$0xFFFFFF80] =	vst v1  }
0x2b5: {  	v1 =	vld [tilespmem:s5+$0x290]  }
0x2b6: {  	s2 =	simm.s32 $0x135  }
0x2b7: {  	[tilespmem:s20+$0x10] =	vst v0;
	v0 =	vld [tilespmem:s2+$0x0]  }
0x2b8: {  	v2 =	vld [tilespmem:s8+$0x2A0];
	_ =	sdelay $0x1  }
0x2b9: {  	[tilespmem:s20+$0xFFFFFF90] =	vst v1;
	v1 =	vld [tilespmem:s2+$0xFFFFFFFF];
	s10 =	spop (v2sf)  }
0x2ba: {  	s1 =	sshll.u32 s10, $0x9;
	v3 =	vld [tilespmem:s5+$0x2A0]  }
0x2bb: {  	s2 =	sshra.s32 s1, $0x2;
	(v2sf) =	vpush v0, $0x0  }
0x2bc: {  	s11 =	spop (v2sf);
	v0 =	vld [tilespmem:s2+$0x280];
	[tilespmem:s20+$0x20] =	vst v2  }
0x2bd: {  	s1 =	sshll.u32 s11, $0x9;
	v2 =	vld [tilespmem:s8+$0x2B0]  }
0x2be: {  	s1 =	sshra.s32 s1, $0x2;
	(v2sf) =	vpush v1, $0x0  }
0x2bf: {  	v1 =	vld [tilespmem:s1+$0x280];
	[tilespmem:s20+$0xFFFFFFA0] =	vst v3  }
0x2c0: {  	s22 =	simm.s32 $0x11400;
	v3 =	vld [tilespmem:s5+$0x2B0]  }
0x2c1: {  	[tilespmem:s22+$0x0] =	vst v0  }
0x2c2: {  	v0 =	vld [tilespmem:s2+$0x290];
	[tilespmem:s20+$0x30] =	vst v2  }
0x2c3: {  	v2 =	vld [tilespmem:s8+$0x2C0]  }
0x2c4: {  	[tilespmem:s22+$0xFFFFFF80] =	vst v1  }
0x2c5: {  	v1 =	vld [tilespmem:s1+$0x290];
	[tilespmem:s20+$0xFFFFFFB0] =	vst v3  }
0x2c6: {  	s21 =	simm.s32 $0x137;
	v3 =	vld [tilespmem:s5+$0x2C0]  }
0x2c7: {  	[tilespmem:s22+$0x10] =	vst v0;
	v0 =	vld [tilespmem:s21+$0x0]  }
0x2c8: {  	[tilespmem:s20+$0x40] =	vst v2;
	v2 =	vld [tilespmem:s2+$0x2A0]  }
0x2c9: {  	v4 =	vld [tilespmem:s8+$0x2D0]  }
0x2ca: {  	[tilespmem:s22+$0xFFFFFF90] =	vst v1;
	v1 =	vld [tilespmem:s21+$0xFFFFFFFF];
	s23 =	spop (v2sf)  }
0x2cb: {  	[tilespmem:s20+$0xFFFFFFC0] =	vst v3;
	v3 =	vld [tilespmem:s1+$0x2A0];
	s10 =	sshll.u32 s23, $0x9  }
0x2cc: {  	v5 =	vld [tilespmem:s5+$0x2D0];
	s21 =	sshra.s32 s10, $0x2  }
0x2cd: {  	s24 =	spop (v2sf);
	(v2sf) =	vpush v0, $0x0;
	v6 =	vld [tilespmem:s21+$0x280];
	[tilespmem:s22+$0x20] =	vst v2  }
0x2ce: {  	s10 =	sshll.u32 s24, $0x9;
	v2 =	vld [tilespmem:s2+$0x2B0];
	[tilespmem:s20+$0x50] =	vst v4  }
0x2cf: {  	(v2sf) =	vpush v1, $0x0;
	s24 =	sshra.s32 s10, $0x2;
	v4 =	vld [tilespmem:s8+$0x2E0]  }
0x2d0: {  	[tilespmem:s22+$0xFFFFFFA0] =	vst v3;
	v3 =	vld [tilespmem:s24+$0x280]  }
0x2d1: {  	s23 =	simm.s32 $0x11500;
	[tilespmem:s20+$0xFFFFFFD0] =	vst v5;
	v5 =	vld [tilespmem:s1+$0x2B0]  }
0x2d2: {  	[tilespmem:s23+$0x0] =	vst v6;
	v6 =	vld [tilespmem:s5+$0x2E0]  }
0x2d3: {  	[tilespmem:s22+$0x30] =	vst v2;
	v7 =	vld [tilespmem:s21+$0x290]  }
0x2d4: {  	[tilespmem:s20+$0x60] =	vst v4;
	v2 =	vld [tilespmem:s2+$0x2C0]  }
0x2d5: {  	[tilespmem:s23+$0xFFFFFF80] =	vst v3;
	v3 =	vld [tilespmem:s8+$0x2F0]  }
0x2d6: {  	[tilespmem:s22+$0xFFFFFFB0] =	vst v5;
	v4 =	vld [tilespmem:s24+$0x290]  }
0x2d7: {  	v0 =	vld [tilespmem:s1+$0x2C0];
	[tilespmem:s20+$0xFFFFFFE0] =	vst v6  }
0x2d8: {  	s10 =	simm.s32 $0x139;
	s8 =	simm.s32 $0x6;
	[tilespmem:s23+$0x10] =	vst v7;
	v1 =	vld [tilespmem:s5+$0x2F0]  }
.LBB2_12:
0x2d9: {  	v5 =	vld [tilespmem:s10+$0x0];
	[tilespmem:s22+$0x40] =	vst v2  }
0x2da: {  	v2 =	vld [tilespmem:s21+$0x2A0];
	[tilespmem:s20+$0x70] =	vst v3  }
0x2db: {  	[tilespmem:s23+$0xFFFFFF90] =	vst v4;
	v3 =	vld [tilespmem:s2+$0x2D0]  }
0x2dc: {  	s8 =	sadd.s32 $0x2, s8;
	v4 =	vld [tilespmem:s10+$0xFFFFFFFF];
	s5 =	spop (v2sf);
	[tilespmem:s22+$0xFFFFFFC0] =	vst v0  }
0x2dd: {  	p0 =	slt.u32 s8, $0x126;
	s5 =	sshll.u32 s5, $0x9;
	v0 =	vld [tilespmem:s24+$0x2A0];
	[tilespmem:s20+$0xFFFFFFF0] =	vst v1;
	s20 =	smov.u32 s22  }
0x2de: {  	s22 =	smov.u32 s23;
	s5 =	sshra.s32 s5, $0x2;
	s11 =	spop (v2sf);
	v1 =	vld [tilespmem:s1+$0x2D0]  }
0x2df: {  	(v2sf) =	vpush v5, $0x0;
	s11 =	sshll.u32 s11, $0x9;
	v5 =	vld [tilespmem:s5+$0x280];
	[tilespmem:s23+$0x20] =	vst v2  }
0x2e0: {  	s11 =	sshra.s32 s11, $0x2;
	v2 =	vld [tilespmem:s21+$0x2B0];
	[tilespmem:s20+$0x50] =	vst v3  }
0x2e1: {  	(v2sf) =	vpush v4, $0x0;
	v3 =	vld [tilespmem:s2+$0x2E0]  }
0x2e2: {  	v4 =	vld [tilespmem:s11+$0x280];
	[tilespmem:s23+$0xFFFFFFA0] =	vst v0  }
0x2e3: {  	s23 =	sadd.s32 $0x100, s23;
	v0 =	vld [tilespmem:s24+$0x2B0];
	[tilespmem:s20+$0xFFFFFFD0] =	vst v1  }
0x2e4: {  	[tilespmem:s23+$0x0] =	vst v5;
	v1 =	vld [tilespmem:s1+$0x2E0]  }
0x2e5: {  	v5 =	vld [tilespmem:s5+$0x290];
	[tilespmem:s22+$0x30] =	vst v2  }
.Ltmp5:
0x2e6: {  	v2 =	vld [tilespmem:s21+$0x2C0];
	[tilespmem:s20+$0x60] =	vst v3;
	(pc) =	sbr.rel @p0 .LBB2_12-.Ltmp5, $4  }
0x2e7: {  	[tilespmem:s23+$0xFFFFFF80] =	vst v4;
	v3 =	vld [tilespmem:s2+$0x2F0];
	s2 =	smov.u32 s21;
	s21 =	smov.u32 s5  }
0x2e8: {  	v4 =	vld [tilespmem:s11+$0x290];
	[tilespmem:s22+$0xFFFFFFB0] =	vst v0  }
0x2e9: {  	v0 =	vld [tilespmem:s24+$0x2C0];
	[tilespmem:s20+$0xFFFFFFE0] =	vst v1  }
0x2ea: {  	s10 =	sadd.s32 $0x2, s10;
	[tilespmem:s23+$0x10] =	vst v5;
	v1 =	vld [tilespmem:s1+$0x2F0];
	s1 =	smov.u32 s24;
	s24 =	smov.u32 s11  }
0x2eb: {  	_ =	sdelay $0x3  }
0x2ec: {  	s5 =	spop (v2sf)  }
0x2ed: {  	s5 =	sshll.u32 s5, $0x9;
	s10 =	spop (v2sf)  }
0x2ee: {  	s8 =	sshra.s32 s5, $0x2;
	s10 =	sshll.u32 s10, $0x9  }
0x2ef: {  	v5 =	vld [tilespmem:s8+$0x280];
	s10 =	sshra.s32 s10, $0x2  }
0x2f0: {  	v6 =	vld [tilespmem:s10+$0x280];
	_ =	sdelay $0x2  }
0x2f1: {  	s11 =	sadd.s32 $0x100, s23  }
0x2f2: {  	[tilespmem:s11+$0x0] =	vst v5  }
0x2f3: {  	v5 =	vld [tilespmem:s8+$0x290];
	[tilespmem:s11+$0xFFFFFF80] =	vst v6  }
0x2f4: {  	v6 =	vld [tilespmem:s10+$0x290];
	_ =	sdelay $0x1  }
0x2f5: {  	v7 =	vld [tilespmem:s21+$0x2A0];
	[tilespmem:s23+$0xFFFFFF90] =	vst v4  }
0x2f6: {  	v4 =	vld [tilespmem:s24+$0x2A0]  }
0x2f7: {  	[tilespmem:s11+$0x10] =	vst v5  }
0x2f8: {  	v5 =	vld [tilespmem:s8+$0x2A0];
	[tilespmem:s11+$0xFFFFFF90] =	vst v6  }
0x2f9: {  	v6 =	vld [tilespmem:s10+$0x2A0]  }
0x2fa: {  	[tilespmem:s23+$0x20] =	vst v7  }
0x2fb: {  	[tilespmem:s23+$0xFFFFFFA0] =	vst v4;
	v4 =	vld [tilespmem:s21+$0x2B0]  }
0x2fc: {  	[tilespmem:s22+$0x40] =	vst v2  }
0x2fd: {  	[tilespmem:s11+$0x20] =	vst v5;
	v5 =	vld [tilespmem:s24+$0x2B0]  }
0x2fe: {  	[tilespmem:s11+$0xFFFFFFA0] =	vst v6;
	v6 =	vld [tilespmem:s8+$0x2B0]  }
0x2ff: {  	[tilespmem:s20+$0x70] =	vst v3;
	v2 =	vld [tilespmem:s10+$0x2B0]  }
0x300: {  	[tilespmem:s23+$0x30] =	vst v4  }
0x301: {  	[tilespmem:s22+$0xFFFFFFC0] =	vst v0;
	v3 =	vld [tilespmem:s21+$0x2C0]  }
0x302: {  	[tilespmem:s23+$0xFFFFFFB0] =	vst v5  }
0x303: {  	v4 =	vld [tilespmem:s24+$0x2C0];
	[tilespmem:s11+$0x30] =	vst v6  }
0x304: {  	v5 =	vld [tilespmem:s8+$0x2C0];
	[tilespmem:s11+$0xFFFFFFB0] =	vst v2  }
0x305: {  	[tilespmem:s20+$0xFFFFFFF0] =	vst v1;
	v0 =	vld [tilespmem:s10+$0x2C0]  }
0x306: {  	v1 =	vld [tilespmem:s1+$0x2D0];
	[tilespmem:s23+$0x40] =	vst v3  }
0x307: {  	v3 =	vld [tilespmem:s21+$0x2D0]  }
0x308: {  	v2 =	vld [tilespmem:s2+$0x2D0];
	[tilespmem:s23+$0xFFFFFFC0] =	vst v4  }
0x309: {  	v4 =	vld [tilespmem:s24+$0x2D0];
	[tilespmem:s11+$0x40] =	vst v5  }
0x30a: {  	v5 =	vld [tilespmem:s8+$0x2D0];
	[tilespmem:s11+$0xFFFFFFC0] =	vst v0  }
0x30b: {  	[tilespmem:s22+$0xFFFFFFD0] =	vst v1;
	v0 =	vld [tilespmem:s10+$0x2D0]  }
0x30c: {  	v1 =	vld [tilespmem:s1+$0x2E0];
	[tilespmem:s23+$0x50] =	vst v3  }
0x30d: {  	v3 =	vld [tilespmem:s21+$0x2E0];
	[tilespmem:s22+$0x50] =	vst v2  }
0x30e: {  	v2 =	vld [tilespmem:s2+$0x2E0];
	[tilespmem:s23+$0xFFFFFFD0] =	vst v4  }
0x30f: {  	v4 =	vld [tilespmem:s24+$0x2E0];
	[tilespmem:s11+$0x50] =	vst v5  }
0x310: {  	v5 =	vld [tilespmem:s8+$0x2E0];
	[tilespmem:s11+$0xFFFFFFD0] =	vst v0  }
0x311: {  	[tilespmem:s22+$0xFFFFFFE0] =	vst v1;
	v0 =	vld [tilespmem:s10+$0x2E0]  }
0x312: {  	v1 =	vld [tilespmem:s1+$0x2F0];
	[tilespmem:s23+$0x60] =	vst v3  }
0x313: {  	v3 =	vld [tilespmem:s21+$0x2F0];
	[tilespmem:s22+$0x60] =	vst v2  }
0x314: {  	v2 =	vld [tilespmem:s2+$0x2F0];
	[tilespmem:s23+$0xFFFFFFE0] =	vst v4  }
0x315: {  	v4 =	vld [tilespmem:s24+$0x2F0];
	[tilespmem:s11+$0x60] =	vst v5  }
0x316: {  	v5 =	vld [tilespmem:s8+$0x2F0];
	[tilespmem:s11+$0xFFFFFFE0] =	vst v0  }
0x317: {  	[tilespmem:s22+$0xFFFFFFF0] =	vst v1;
	v0 =	vld [tilespmem:s10+$0x2F0]  }
0x318: {  	[tilespmem:s23+$0x70] =	vst v3  }
0x319: {  	[tilespmem:s22+$0x70] =	vst v2  }
0x31a: {  	[tilespmem:s23+$0xFFFFFFF0] =	vst v4  }
0x31b: {  	[tilespmem:s11+$0x70] =	vst v5  }
0x31c: {  	[tilespmem:s11+$0xFFFFFFF0] =	vst v0  }
0x31d: {  	[hbm4b:s14+s18] =	stream.strided.scatter [tilespmem:s28], [sflag:$0x5], $0x9400, s19, s18, $0x38;
	[tilespmem:$0x1AA80] =	vst v63  }
0x31e: {  	_ =	swait.ge [sflag:s29], $0x3A80  }
0x31f: {  	[sflag:s29] =	ssyncset.done $0x0  }
0x320: {  	[sflag:s29] =	ssyncadd.s32 $0xFFFFC580  }
0x321: {  	_ =	swait.ge [sflag:s30], $0x9800  }
0x322: {  	[sflag:s30] =	ssyncset.done $0x0  }
0x323: {  	s21 =	simm.s32 $0x1;
	[sflag:s30] =	ssyncadd.s32 $0xFFFF6800  }
0x324: {  	v0 =	vld [tilespmem:s21+$0x0];
	_ =	sdelay $0x2  }
0x325: {  	v1 =	vld [tilespmem:s21+$0xFFFFFFFF];
	_ =	sdelay $0x1  }
0x326: {  	(v2sf) =	vpush v0, $0x0;
	_ =	sdelay $0x2  }
0x327: {  	(v2sf) =	vpush v1, $0x0;
	_ =	sdelay $0x7  }
0x328: {  	s22 =	simm.s32 $0x3  }
0x329: {  	v0 =	vld [tilespmem:s22+$0x0];
	_ =	sdelay $0x2  }
0x32a: {  	v1 =	vld [tilespmem:s22+$0xFFFFFFFF];
	s23 =	spop (v2sf)  }
0x32b: {  	s1 =	sshll.u32 s23, $0x9  }
0x32c: {  	(v2sf) =	vpush v0, $0x0;
	s8 =	sshra.s32 s1, $0x2  }
0x32d: {  	s24 =	spop (v2sf);
	v0 =	vld [tilespmem:s8+$0x3E80]  }
0x32e: {  	s1 =	sshll.u32 s24, $0x9  }
0x32f: {  	(v2sf) =	vpush v1, $0x0;
	s5 =	sshra.s32 s1, $0x2  }
0x330: {  	v1 =	vld [tilespmem:s5+$0x3E80]  }
0x331: {  	s20 =	simm.s32 $0x7B00  }
0x332: {  	[tilespmem:s20+$0x0] =	vst v0  }
0x333: {  	v0 =	vld [tilespmem:s8+$0x3E90];
	_ =	sdelay $0x1  }
0x334: {  	[tilespmem:s20+$0xFFFFFF80] =	vst v1  }
0x335: {  	v1 =	vld [tilespmem:s5+$0x3E90]  }
0x336: {  	s2 =	simm.s32 $0x5  }
0x337: {  	[tilespmem:s20+$0x10] =	vst v0;
	v0 =	vld [tilespmem:s2+$0x0]  }
0x338: {  	v2 =	vld [tilespmem:s8+$0x3EA0];
	_ =	sdelay $0x1  }
0x339: {  	[tilespmem:s20+$0xFFFFFF90] =	vst v1;
	v1 =	vld [tilespmem:s2+$0xFFFFFFFF];
	s10 =	spop (v2sf)  }
0x33a: {  	s1 =	sshll.u32 s10, $0x9;
	v3 =	vld [tilespmem:s5+$0x3EA0]  }
0x33b: {  	s2 =	sshra.s32 s1, $0x2;
	(v2sf) =	vpush v0, $0x0  }
0x33c: {  	s11 =	spop (v2sf);
	v0 =	vld [tilespmem:s2+$0x3E80];
	[tilespmem:s20+$0x20] =	vst v2  }
0x33d: {  	s1 =	sshll.u32 s11, $0x9;
	v2 =	vld [tilespmem:s8+$0x3EB0]  }
0x33e: {  	s1 =	sshra.s32 s1, $0x2;
	(v2sf) =	vpush v1, $0x0  }
0x33f: {  	v1 =	vld [tilespmem:s1+$0x3E80];
	[tilespmem:s20+$0xFFFFFFA0] =	vst v3  }
0x340: {  	s22 =	simm.s32 $0x7C00;
	v3 =	vld [tilespmem:s5+$0x3EB0]  }
0x341: {  	[tilespmem:s22+$0x0] =	vst v0  }
0x342: {  	v0 =	vld [tilespmem:s2+$0x3E90];
	[tilespmem:s20+$0x30] =	vst v2  }
0x343: {  	v2 =	vld [tilespmem:s8+$0x3EC0]  }
0x344: {  	[tilespmem:s22+$0xFFFFFF80] =	vst v1  }
0x345: {  	v1 =	vld [tilespmem:s1+$0x3E90];
	[tilespmem:s20+$0xFFFFFFB0] =	vst v3  }
0x346: {  	s21 =	simm.s32 $0x7;
	v3 =	vld [tilespmem:s5+$0x3EC0]  }
0x347: {  	[tilespmem:s22+$0x10] =	vst v0;
	v0 =	vld [tilespmem:s21+$0x0]  }
0x348: {  	[tilespmem:s20+$0x40] =	vst v2;
	v2 =	vld [tilespmem:s2+$0x3EA0]  }
0x349: {  	v4 =	vld [tilespmem:s8+$0x3ED0]  }
0x34a: {  	[tilespmem:s22+$0xFFFFFF90] =	vst v1;
	v1 =	vld [tilespmem:s21+$0xFFFFFFFF];
	s23 =	spop (v2sf)  }
0x34b: {  	[tilespmem:s20+$0xFFFFFFC0] =	vst v3;
	v3 =	vld [tilespmem:s1+$0x3EA0];
	s10 =	sshll.u32 s23, $0x9  }
0x34c: {  	v5 =	vld [tilespmem:s5+$0x3ED0];
	s21 =	sshra.s32 s10, $0x2  }
0x34d: {  	s24 =	spop (v2sf);
	(v2sf) =	vpush v0, $0x0;
	v6 =	vld [tilespmem:s21+$0x3E80];
	[tilespmem:s22+$0x20] =	vst v2  }
0x34e: {  	s10 =	sshll.u32 s24, $0x9;
	v2 =	vld [tilespmem:s2+$0x3EB0];
	[tilespmem:s20+$0x50] =	vst v4  }
0x34f: {  	(v2sf) =	vpush v1, $0x0;
	s24 =	sshra.s32 s10, $0x2;
	v4 =	vld [tilespmem:s8+$0x3EE0]  }
0x350: {  	[tilespmem:s22+$0xFFFFFFA0] =	vst v3;
	v3 =	vld [tilespmem:s24+$0x3E80]  }
0x351: {  	s23 =	simm.s32 $0x7D00;
	[tilespmem:s20+$0xFFFFFFD0] =	vst v5;
	v5 =	vld [tilespmem:s1+$0x3EB0]  }
0x352: {  	[tilespmem:s23+$0x0] =	vst v6;
	v6 =	vld [tilespmem:s5+$0x3EE0]  }
0x353: {  	[tilespmem:s22+$0x30] =	vst v2;
	v7 =	vld [tilespmem:s21+$0x3E90]  }
0x354: {  	[tilespmem:s20+$0x60] =	vst v4;
	v2 =	vld [tilespmem:s2+$0x3EC0]  }
0x355: {  	[tilespmem:s23+$0xFFFFFF80] =	vst v3;
	v3 =	vld [tilespmem:s8+$0x3EF0]  }
0x356: {  	[tilespmem:s22+$0xFFFFFFB0] =	vst v5;
	v4 =	vld [tilespmem:s24+$0x3E90]  }
0x357: {  	v0 =	vld [tilespmem:s1+$0x3EC0];
	[tilespmem:s20+$0xFFFFFFE0] =	vst v6  }
0x358: {  	s10 =	simm.s32 $0x9;
	s8 =	simm.s32 $0x6;
	[tilespmem:s23+$0x10] =	vst v7;
	v1 =	vld [tilespmem:s5+$0x3EF0]  }
.LBB2_14:
0x359: {  	v5 =	vld [tilespmem:s10+$0x0];
	[tilespmem:s22+$0x40] =	vst v2  }
0x35a: {  	v2 =	vld [tilespmem:s21+$0x3EA0];
	[tilespmem:s20+$0x70] =	vst v3  }
0x35b: {  	[tilespmem:s23+$0xFFFFFF90] =	vst v4;
	v3 =	vld [tilespmem:s2+$0x3ED0]  }
0x35c: {  	s8 =	sadd.s32 $0x2, s8;
	v4 =	vld [tilespmem:s10+$0xFFFFFFFF];
	s5 =	spop (v2sf);
	[tilespmem:s22+$0xFFFFFFC0] =	vst v0  }
0x35d: {  	p0 =	slt.u32 s8, $0x12E;
	s5 =	sshll.u32 s5, $0x9;
	v0 =	vld [tilespmem:s24+$0x3EA0];
	[tilespmem:s20+$0xFFFFFFF0] =	vst v1;
	s20 =	smov.u32 s22  }
0x35e: {  	s22 =	smov.u32 s23;
	s5 =	sshra.s32 s5, $0x2;
	s11 =	spop (v2sf);
	v1 =	vld [tilespmem:s1+$0x3ED0]  }
0x35f: {  	(v2sf) =	vpush v5, $0x0;
	s11 =	sshll.u32 s11, $0x9;
	v5 =	vld [tilespmem:s5+$0x3E80];
	[tilespmem:s23+$0x20] =	vst v2  }
0x360: {  	s11 =	sshra.s32 s11, $0x2;
	v2 =	vld [tilespmem:s21+$0x3EB0];
	[tilespmem:s20+$0x50] =	vst v3  }
0x361: {  	(v2sf) =	vpush v4, $0x0;
	v3 =	vld [tilespmem:s2+$0x3EE0]  }
0x362: {  	v4 =	vld [tilespmem:s11+$0x3E80];
	[tilespmem:s23+$0xFFFFFFA0] =	vst v0  }
0x363: {  	s23 =	sadd.s32 $0x100, s23;
	v0 =	vld [tilespmem:s24+$0x3EB0];
	[tilespmem:s20+$0xFFFFFFD0] =	vst v1  }
0x364: {  	[tilespmem:s23+$0x0] =	vst v5;
	v1 =	vld [tilespmem:s1+$0x3EE0]  }
0x365: {  	v5 =	vld [tilespmem:s5+$0x3E90];
	[tilespmem:s22+$0x30] =	vst v2  }
.Ltmp6:
0x366: {  	v2 =	vld [tilespmem:s21+$0x3EC0];
	[tilespmem:s20+$0x60] =	vst v3;
	(pc) =	sbr.rel @p0 .LBB2_14-.Ltmp6, $4  }
0x367: {  	[tilespmem:s23+$0xFFFFFF80] =	vst v4;
	v3 =	vld [tilespmem:s2+$0x3EF0];
	s2 =	smov.u32 s21;
	s21 =	smov.u32 s5  }
0x368: {  	v4 =	vld [tilespmem:s11+$0x3E90];
	[tilespmem:s22+$0xFFFFFFB0] =	vst v0  }
0x369: {  	v0 =	vld [tilespmem:s24+$0x3EC0];
	[tilespmem:s20+$0xFFFFFFE0] =	vst v1  }
0x36a: {  	s10 =	sadd.s32 $0x2, s10;
	[tilespmem:s23+$0x10] =	vst v5;
	v1 =	vld [tilespmem:s1+$0x3EF0];
	s1 =	smov.u32 s24;
	s24 =	smov.u32 s11  }
0x36b: {  	_ =	sdelay $0x3  }
0x36c: {  	s5 =	spop (v2sf)  }
0x36d: {  	s5 =	sshll.u32 s5, $0x9;
	s10 =	spop (v2sf)  }
0x36e: {  	s8 =	sshra.s32 s5, $0x2;
	s10 =	sshll.u32 s10, $0x9  }
0x36f: {  	v5 =	vld [tilespmem:s8+$0x3E80];
	s10 =	sshra.s32 s10, $0x2  }
0x370: {  	v6 =	vld [tilespmem:s10+$0x3E80];
	_ =	sdelay $0x2  }
0x371: {  	s11 =	sadd.s32 $0x100, s23  }
0x372: {  	[tilespmem:s11+$0x0] =	vst v5  }
0x373: {  	v5 =	vld [tilespmem:s8+$0x3E90];
	[tilespmem:s11+$0xFFFFFF80] =	vst v6  }
0x374: {  	v6 =	vld [tilespmem:s10+$0x3E90];
	_ =	sdelay $0x1  }
0x375: {  	v7 =	vld [tilespmem:s21+$0x3EA0];
	[tilespmem:s23+$0xFFFFFF90] =	vst v4  }
0x376: {  	v4 =	vld [tilespmem:s24+$0x3EA0]  }
0x377: {  	[tilespmem:s11+$0x10] =	vst v5  }
0x378: {  	v5 =	vld [tilespmem:s8+$0x3EA0];
	[tilespmem:s11+$0xFFFFFF90] =	vst v6  }
0x379: {  	v6 =	vld [tilespmem:s10+$0x3EA0]  }
0x37a: {  	[tilespmem:s23+$0x20] =	vst v7  }
0x37b: {  	[tilespmem:s23+$0xFFFFFFA0] =	vst v4;
	v4 =	vld [tilespmem:s21+$0x3EB0]  }
0x37c: {  	[tilespmem:s22+$0x40] =	vst v2  }
0x37d: {  	[tilespmem:s11+$0x20] =	vst v5;
	v5 =	vld [tilespmem:s24+$0x3EB0]  }
0x37e: {  	[tilespmem:s11+$0xFFFFFFA0] =	vst v6;
	v6 =	vld [tilespmem:s8+$0x3EB0]  }
0x37f: {  	[tilespmem:s20+$0x70] =	vst v3;
	v2 =	vld [tilespmem:s10+$0x3EB0]  }
0x380: {  	[tilespmem:s23+$0x30] =	vst v4  }
0x381: {  	[tilespmem:s22+$0xFFFFFFC0] =	vst v0;
	v3 =	vld [tilespmem:s21+$0x3EC0]  }
0x382: {  	[tilespmem:s23+$0xFFFFFFB0] =	vst v5  }
0x383: {  	v4 =	vld [tilespmem:s24+$0x3EC0];
	[tilespmem:s11+$0x30] =	vst v6  }
0x384: {  	v5 =	vld [tilespmem:s8+$0x3EC0];
	[tilespmem:s11+$0xFFFFFFB0] =	vst v2  }
0x385: {  	[tilespmem:s20+$0xFFFFFFF0] =	vst v1;
	v0 =	vld [tilespmem:s10+$0x3EC0]  }
0x386: {  	v1 =	vld [tilespmem:s1+$0x3ED0];
	[tilespmem:s23+$0x40] =	vst v3  }
0x387: {  	v3 =	vld [tilespmem:s21+$0x3ED0]  }
0x388: {  	v2 =	vld [tilespmem:s2+$0x3ED0];
	[tilespmem:s23+$0xFFFFFFC0] =	vst v4  }
0x389: {  	v4 =	vld [tilespmem:s24+$0x3ED0];
	[tilespmem:s11+$0x40] =	vst v5  }
0x38a: {  	v5 =	vld [tilespmem:s8+$0x3ED0];
	[tilespmem:s11+$0xFFFFFFC0] =	vst v0  }
0x38b: {  	[tilespmem:s22+$0xFFFFFFD0] =	vst v1;
	v0 =	vld [tilespmem:s10+$0x3ED0]  }
0x38c: {  	v1 =	vld [tilespmem:s1+$0x3EE0];
	[tilespmem:s23+$0x50] =	vst v3  }
0x38d: {  	v3 =	vld [tilespmem:s21+$0x3EE0];
	[tilespmem:s22+$0x50] =	vst v2  }
0x38e: {  	v2 =	vld [tilespmem:s2+$0x3EE0];
	[tilespmem:s23+$0xFFFFFFD0] =	vst v4  }
0x38f: {  	v4 =	vld [tilespmem:s24+$0x3EE0];
	[tilespmem:s11+$0x50] =	vst v5  }
0x390: {  	v5 =	vld [tilespmem:s8+$0x3EE0];
	[tilespmem:s11+$0xFFFFFFD0] =	vst v0  }
0x391: {  	[tilespmem:s22+$0xFFFFFFE0] =	vst v1;
	v0 =	vld [tilespmem:s10+$0x3EE0]  }
0x392: {  	v1 =	vld [tilespmem:s1+$0x3EF0];
	[tilespmem:s23+$0x60] =	vst v3  }
0x393: {  	v3 =	vld [tilespmem:s21+$0x3EF0];
	[tilespmem:s22+$0x60] =	vst v2  }
0x394: {  	v2 =	vld [tilespmem:s2+$0x3EF0];
	[tilespmem:s23+$0xFFFFFFE0] =	vst v4  }
0x395: {  	v4 =	vld [tilespmem:s24+$0x3EF0];
	[tilespmem:s11+$0x60] =	vst v5  }
0x396: {  	v5 =	vld [tilespmem:s8+$0x3EF0];
	[tilespmem:s11+$0xFFFFFFE0] =	vst v0  }
0x397: {  	[tilespmem:s22+$0xFFFFFFF0] =	vst v1;
	v0 =	vld [tilespmem:s10+$0x3EF0]  }
0x398: {  	[tilespmem:s23+$0x70] =	vst v3  }
0x399: {  	[tilespmem:s22+$0x70] =	vst v2  }
0x39a: {  	[tilespmem:s23+$0xFFFFFFF0] =	vst v4  }
0x39b: {  	[tilespmem:s11+$0x70] =	vst v5  }
0x39c: {  	[tilespmem:s11+$0xFFFFFFF0] =	vst v0  }
0x39d: {  	[hbm4b:s15+s18] =	stream.strided.scatter [tilespmem:s26], [sflag:$0x4], $0x9800, s19, s18, $0x38;
	[tilespmem:$0x1AA80] =	vst v63  }
0x39e: {  	_ =	swait.ge [sflag:s31], $0x9400  }
0x39f: {  	[sflag:s31] =	ssyncset.done $0x0  }
0x3a0: {  	s21 =	simm.s32 $0x131;
	[sflag:s31] =	ssyncadd.s32 $0xFFFF6C00  }
0x3a1: {  	v0 =	vld [tilespmem:s21+$0x0];
	_ =	sdelay $0x2  }
0x3a2: {  	v1 =	vld [tilespmem:s21+$0xFFFFFFFF];
	_ =	sdelay $0x1  }
0x3a3: {  	(v2sf) =	vpush v0, $0x0;
	_ =	sdelay $0x2  }
0x3a4: {  	(v2sf) =	vpush v1, $0x0;
	_ =	sdelay $0x7  }
0x3a5: {  	s22 =	simm.s32 $0x133  }
0x3a6: {  	v0 =	vld [tilespmem:s22+$0x0];
	_ =	sdelay $0x2  }
0x3a7: {  	v1 =	vld [tilespmem:s22+$0xFFFFFFFF];
	s23 =	spop (v2sf)  }
0x3a8: {  	s1 =	sshll.u32 s23, $0x9  }
0x3a9: {  	(v2sf) =	vpush v0, $0x0;
	s8 =	sshra.s32 s1, $0x2  }
0x3aa: {  	s24 =	spop (v2sf);
	v0 =	vld [tilespmem:s8+$0x3E80]  }
0x3ab: {  	s1 =	sshll.u32 s24, $0x9  }
0x3ac: {  	(v2sf) =	vpush v1, $0x0;
	s5 =	sshra.s32 s1, $0x2  }
0x3ad: {  	v1 =	vld [tilespmem:s5+$0x3E80]  }
0x3ae: {  	s20 =	simm.s32 $0x11300  }
0x3af: {  	[tilespmem:s20+$0x0] =	vst v0  }
0x3b0: {  	v0 =	vld [tilespmem:s8+$0x3E90];
	_ =	sdelay $0x1  }
0x3b1: {  	[tilespmem:s20+$0xFFFFFF80] =	vst v1  }
0x3b2: {  	v1 =	vld [tilespmem:s5+$0x3E90]  }
0x3b3: {  	s2 =	simm.s32 $0x135  }
0x3b4: {  	[tilespmem:s20+$0x10] =	vst v0;
	v0 =	vld [tilespmem:s2+$0x0]  }
0x3b5: {  	v2 =	vld [tilespmem:s8+$0x3EA0];
	_ =	sdelay $0x1  }
0x3b6: {  	[tilespmem:s20+$0xFFFFFF90] =	vst v1;
	v1 =	vld [tilespmem:s2+$0xFFFFFFFF];
	s10 =	spop (v2sf)  }
0x3b7: {  	s1 =	sshll.u32 s10, $0x9;
	v3 =	vld [tilespmem:s5+$0x3EA0]  }
0x3b8: {  	s2 =	sshra.s32 s1, $0x2;
	(v2sf) =	vpush v0, $0x0  }
0x3b9: {  	s11 =	spop (v2sf);
	v0 =	vld [tilespmem:s2+$0x3E80];
	[tilespmem:s20+$0x20] =	vst v2  }
0x3ba: {  	s1 =	sshll.u32 s11, $0x9;
	v2 =	vld [tilespmem:s8+$0x3EB0]  }
0x3bb: {  	s1 =	sshra.s32 s1, $0x2;
	(v2sf) =	vpush v1, $0x0  }
0x3bc: {  	v1 =	vld [tilespmem:s1+$0x3E80];
	[tilespmem:s20+$0xFFFFFFA0] =	vst v3  }
0x3bd: {  	s22 =	simm.s32 $0x11400;
	v3 =	vld [tilespmem:s5+$0x3EB0]  }
0x3be: {  	[tilespmem:s22+$0x0] =	vst v0  }
0x3bf: {  	v0 =	vld [tilespmem:s2+$0x3E90];
	[tilespmem:s20+$0x30] =	vst v2  }
0x3c0: {  	v2 =	vld [tilespmem:s8+$0x3EC0]  }
0x3c1: {  	[tilespmem:s22+$0xFFFFFF80] =	vst v1  }
0x3c2: {  	v1 =	vld [tilespmem:s1+$0x3E90];
	[tilespmem:s20+$0xFFFFFFB0] =	vst v3  }
0x3c3: {  	s21 =	simm.s32 $0x137;
	v3 =	vld [tilespmem:s5+$0x3EC0]  }
0x3c4: {  	v5 =	vld [tilespmem:s21+$0x0];
	[tilespmem:s22+$0x10] =	vst v0  }
0x3c5: {  	v0 =	vld [tilespmem:s2+$0x3EA0];
	[tilespmem:s20+$0x40] =	vst v2  }
0x3c6: {  	v2 =	vld [tilespmem:s8+$0x3ED0]  }
0x3c7: {  	v6 =	vld [tilespmem:s21+$0xFFFFFFFF];
	[tilespmem:s22+$0xFFFFFF90] =	vst v1;
	s23 =	spop (v2sf)  }
0x3c8: {  	v1 =	vld [tilespmem:s1+$0x3EA0];
	[tilespmem:s20+$0xFFFFFFC0] =	vst v3;
	s10 =	sshll.u32 s23, $0x9  }
0x3c9: {  	v3 =	vld [tilespmem:s5+$0x3ED0];
	s21 =	sshra.s32 s10, $0x2  }
0x3ca: {  	(v2sf) =	vpush v5, $0x0;
	s24 =	spop (v2sf);
	[tilespmem:s22+$0x20] =	vst v0;
	v4 =	vld [tilespmem:s21+$0x3E80]  }
0x3cb: {  	s10 =	sshll.u32 s24, $0x9;
	v0 =	vld [tilespmem:s2+$0x3EB0];
	[tilespmem:s20+$0x50] =	vst v2  }
0x3cc: {  	(v2sf) =	vpush v6, $0x0;
	s24 =	sshra.s32 s10, $0x2;
	v2 =	vld [tilespmem:s8+$0x3EE0]  }
0x3cd: {  	[tilespmem:s22+$0xFFFFFFA0] =	vst v1;
	v1 =	vld [tilespmem:s24+$0x3E80]  }
0x3ce: {  	s23 =	simm.s32 $0x11500;
	[tilespmem:s20+$0xFFFFFFD0] =	vst v3;
	v3 =	vld [tilespmem:s1+$0x3EB0]  }
0x3cf: {  	v7 =	vld [tilespmem:s5+$0x3EE0];
	[tilespmem:s23+$0x0] =	vst v4  }
0x3d0: {  	[tilespmem:s22+$0x30] =	vst v0;
	v8 =	vld [tilespmem:s21+$0x3E90]  }
0x3d1: {  	v0 =	vld [tilespmem:s2+$0x3EC0];
	[tilespmem:s20+$0x60] =	vst v2  }
0x3d2: {  	[tilespmem:s23+$0xFFFFFF80] =	vst v1;
	v2 =	vld [tilespmem:s8+$0x3EF0]  }
0x3d3: {  	[tilespmem:s22+$0xFFFFFFB0] =	vst v3;
	v4 =	vld [tilespmem:s24+$0x3E90]  }
0x3d4: {  	[tilespmem:s20+$0xFFFFFFE0] =	vst v7;
	v1 =	vld [tilespmem:s1+$0x3EC0]  }
0x3d5: {  	s10 =	simm.s32 $0x139;
	s8 =	simm.s32 $0x6;
	v3 =	vld [tilespmem:s5+$0x3EF0];
	[tilespmem:s23+$0x10] =	vst v8  }
.LBB2_16:
0x3d6: {  	v5 =	vld [tilespmem:s10+$0x0];
	[tilespmem:s22+$0x40] =	vst v0  }
0x3d7: {  	v0 =	vld [tilespmem:s21+$0x3EA0];
	[tilespmem:s20+$0x70] =	vst v2  }
0x3d8: {  	[tilespmem:s23+$0xFFFFFF90] =	vst v4;
	v2 =	vld [tilespmem:s2+$0x3ED0]  }
0x3d9: {  	s8 =	sadd.s32 $0x2, s8;
	v4 =	vld [tilespmem:s10+$0xFFFFFFFF];
	s5 =	spop (v2sf);
	[tilespmem:s22+$0xFFFFFFC0] =	vst v1  }
0x3da: {  	p0 =	slt.u32 s8, $0x126;
	s5 =	sshll.u32 s5, $0x9;
	v1 =	vld [tilespmem:s24+$0x3EA0];
	[tilespmem:s20+$0xFFFFFFF0] =	vst v3;
	s20 =	smov.u32 s22  }
0x3db: {  	s22 =	smov.u32 s23;
	s5 =	sshra.s32 s5, $0x2;
	s11 =	spop (v2sf);
	v3 =	vld [tilespmem:s1+$0x3ED0]  }
0x3dc: {  	(v2sf) =	vpush v5, $0x0;
	s11 =	sshll.u32 s11, $0x9;
	v5 =	vld [tilespmem:s5+$0x3E80];
	[tilespmem:s23+$0x20] =	vst v0  }
0x3dd: {  	s11 =	sshra.s32 s11, $0x2;
	v0 =	vld [tilespmem:s21+$0x3EB0];
	[tilespmem:s20+$0x50] =	vst v2  }
0x3de: {  	(v2sf) =	vpush v4, $0x0;
	v2 =	vld [tilespmem:s2+$0x3EE0]  }
0x3df: {  	v4 =	vld [tilespmem:s11+$0x3E80];
	[tilespmem:s23+$0xFFFFFFA0] =	vst v1  }
0x3e0: {  	s23 =	sadd.s32 $0x100, s23;
	v1 =	vld [tilespmem:s24+$0x3EB0];
	[tilespmem:s20+$0xFFFFFFD0] =	vst v3  }
0x3e1: {  	[tilespmem:s23+$0x0] =	vst v5;
	v3 =	vld [tilespmem:s1+$0x3EE0]  }
0x3e2: {  	v5 =	vld [tilespmem:s5+$0x3E90];
	[tilespmem:s22+$0x30] =	vst v0  }
.Ltmp7:
0x3e3: {  	v0 =	vld [tilespmem:s21+$0x3EC0];
	[tilespmem:s20+$0x60] =	vst v2;
	(pc) =	sbr.rel @p0 .LBB2_16-.Ltmp7, $4  }
0x3e4: {  	[tilespmem:s23+$0xFFFFFF80] =	vst v4;
	v2 =	vld [tilespmem:s2+$0x3EF0];
	s2 =	smov.u32 s21;
	s21 =	smov.u32 s5  }
0x3e5: {  	v4 =	vld [tilespmem:s11+$0x3E90];
	[tilespmem:s22+$0xFFFFFFB0] =	vst v1  }
0x3e6: {  	v1 =	vld [tilespmem:s24+$0x3EC0];
	[tilespmem:s20+$0xFFFFFFE0] =	vst v3  }
0x3e7: {  	s10 =	sadd.s32 $0x2, s10;
	[tilespmem:s23+$0x10] =	vst v5;
	v3 =	vld [tilespmem:s1+$0x3EF0];
	s1 =	smov.u32 s24;
	s24 =	smov.u32 s11  }
0x3e8: {  	_ =	sdelay $0x3  }
0x3e9: {  	s5 =	spop (v2sf)  }
0x3ea: {  	s5 =	sshll.u32 s5, $0x9;
	s10 =	spop (v2sf)  }
0x3eb: {  	s8 =	sshra.s32 s5, $0x2;
	s10 =	sshll.u32 s10, $0x9  }
0x3ec: {  	v5 =	vld [tilespmem:s8+$0x3E80];
	s10 =	sshra.s32 s10, $0x2  }
0x3ed: {  	v6 =	vld [tilespmem:s10+$0x3E80];
	_ =	sdelay $0x2  }
0x3ee: {  	s11 =	sadd.s32 $0x100, s23  }
0x3ef: {  	[tilespmem:s11+$0x0] =	vst v5  }
0x3f0: {  	v5 =	vld [tilespmem:s8+$0x3E90];
	[tilespmem:s11+$0xFFFFFF80] =	vst v6  }
0x3f1: {  	v6 =	vld [tilespmem:s10+$0x3E90];
	_ =	sdelay $0x2  }
0x3f2: {  	v7 =	vld [tilespmem:s21+$0x3EA0];
	[tilespmem:s23+$0xFFFFFF90] =	vst v4  }
0x3f3: {  	v4 =	vld [tilespmem:s24+$0x3EA0];
	[tilespmem:s11+$0x10] =	vst v5  }
0x3f4: {  	v5 =	vld [tilespmem:s8+$0x3EA0];
	[tilespmem:s11+$0xFFFFFF90] =	vst v6  }
0x3f5: {  	v6 =	vld [tilespmem:s10+$0x3EA0];
	_ =	sdelay $0x1  }
0x3f6: {  	[tilespmem:s23+$0x20] =	vst v7  }
0x3f7: {  	v55 =	vld [tilespmem:s21+$0x3EB0];
	[tilespmem:s23+$0xFFFFFFA0] =	vst v4  }
0x3f8: {  	v56 =	vld [tilespmem:s24+$0x3EB0];
	[tilespmem:s11+$0x20] =	vst v5  }
0x3f9: {  	v57 =	vld [tilespmem:s8+$0x3EB0];
	[tilespmem:s11+$0xFFFFFFA0] =	vst v6  }
0x3fa: {  	[tilespmem:s22+$0x40] =	vst v0;
	v58 =	vld [tilespmem:s10+$0x3EB0]  }
0x3fb: {  	[tilespmem:s20+$0x70] =	vst v2  }
0x3fc: {  	[tilespmem:s23+$0x30] =	vst v55  }
0x3fd: {  	v59 =	vld [tilespmem:s21+$0x3EC0];
	[tilespmem:s23+$0xFFFFFFB0] =	vst v56  }
0x3fe: {  	v60 =	vld [tilespmem:s24+$0x3EC0];
	[tilespmem:s11+$0x30] =	vst v57  }
0x3ff: {  	v61 =	vld [tilespmem:s8+$0x3EC0];
	[tilespmem:s11+$0xFFFFFFB0] =	vst v58  }
0x400: {  	[tilespmem:s22+$0xFFFFFFC0] =	vst v1;
	v62 =	vld [tilespmem:s10+$0x3EC0]  }
0x401: {  	v63 =	vld [tilespmem:s2+$0x3ED0];
	[tilespmem:s20+$0xFFFFFFF0] =	vst v3  }
0x402: {  	v1 =	vld [tilespmem:s1+$0x3ED0];
	[tilespmem:s23+$0x40] =	vst v59  }
0x403: {  	v3 =	vld [tilespmem:s21+$0x3ED0];
	[tilespmem:s23+$0xFFFFFFC0] =	vst v60  }
0x404: {  	v4 =	vld [tilespmem:s24+$0x3ED0];
	[tilespmem:s11+$0x40] =	vst v61  }
0x405: {  	v5 =	vld [tilespmem:s8+$0x3ED0];
	[tilespmem:s11+$0xFFFFFFC0] =	vst v62  }
0x406: {  	[tilespmem:s22+$0x50] =	vst v63;
	v0 =	vld [tilespmem:s10+$0x3ED0]  }
0x407: {  	v2 =	vld [tilespmem:s2+$0x3EE0];
	[tilespmem:s22+$0xFFFFFFD0] =	vst v1  }
0x408: {  	v1 =	vld [tilespmem:s1+$0x3EE0];
	[tilespmem:s23+$0x50] =	vst v3  }
0x409: {  	v3 =	vld [tilespmem:s21+$0x3EE0];
	[tilespmem:s23+$0xFFFFFFD0] =	vst v4  }
0x40a: {  	v4 =	vld [tilespmem:s24+$0x3EE0];
	[tilespmem:s11+$0x50] =	vst v5  }
0x40b: {  	v5 =	vld [tilespmem:s8+$0x3EE0];
	[tilespmem:s11+$0xFFFFFFD0] =	vst v0  }
0x40c: {  	[tilespmem:s22+$0x60] =	vst v2;
	v0 =	vld [tilespmem:s10+$0x3EE0]  }
0x40d: {  	v2 =	vld [tilespmem:s2+$0x3EF0];
	[tilespmem:s22+$0xFFFFFFE0] =	vst v1  }
0x40e: {  	v1 =	vld [tilespmem:s1+$0x3EF0];
	[tilespmem:s23+$0x60] =	vst v3  }
0x40f: {  	v3 =	vld [tilespmem:s21+$0x3EF0];
	[tilespmem:s23+$0xFFFFFFE0] =	vst v4  }
0x410: {  	v4 =	vld [tilespmem:s24+$0x3EF0];
	[tilespmem:s11+$0x60] =	vst v5  }
0x411: {  	v5 =	vld [tilespmem:s8+$0x3EF0];
	[tilespmem:s11+$0xFFFFFFE0] =	vst v0  }
0x412: {  	[tilespmem:s22+$0x70] =	vst v2;
	v0 =	vld [tilespmem:s10+$0x3EF0]  }
0x413: {  	[tilespmem:s22+$0xFFFFFFF0] =	vst v1  }
0x414: {  	[tilespmem:s23+$0x70] =	vst v3  }
0x415: {  	[tilespmem:s23+$0xFFFFFFF0] =	vst v4  }
0x416: {  	[tilespmem:s11+$0x70] =	vst v5  }
0x417: {  	s0 =	sadd.s32 $0x1, s0;
	[tilespmem:s11+$0xFFFFFFF0] =	vst v0  }
0x418: {  	[hbm4b:s16+s18] =	stream.strided.scatter [tilespmem:s28], [sflag:$0x5], $0x9400, s19, s18, $0x38;
	[tilespmem:$0x1AA80] =	vst v63  }
0x419: {  	p0 =	sne.s32 s0, s17;
	_ =	swait.ge [sflag:s30], $0x9800  }
.Ltmp8:
0x41a: {  	[sflag:s30] =	ssyncset.done $0x0;
	(pc) =	sbr.rel @p0 .LBB2_1-.Ltmp8, $4  }
0x41b: {  	[sflag:s30] =	ssyncadd.s32 $0xFFFF6800  }
0x41c: {  	_ =	swait.ge [sflag:s31], $0x9400  }
0x41d: {  	[sflag:s31] =	ssyncset.done $0x0  }
0x41e: {  	[sflag:s31] =	ssyncadd.s32 $0xFFFF6C00  }
0x41f: {  	_ =	sfence.sel $0x180000  }
0x420: {  	[bflag:$0x0] =	sbarrier.arrive $0xFFFF  }
0x421: {  	_ =	strace $0x90000047  }
0x422: {  	s0 =	stileid.u32;
	[bflag:$0x2] =	sbarrier.arrive $0xFFFF  }
0x423: {  	p0 =	sne.s32 s0, $0x0;
	s0 =	rddreg [dreg:$0x3]  }
0x424: {  	s0 =	sadd.s32 @!p0 $0x100000, s0  }
0x425: {  	[sflag:s0] =	ssyncadd.tile.s32 @!p0 $0x1;
	_ =	shalt  }
.Lfunc_end2:
_tile_overlayer_lowered:
.L_overlay_start_2:
0x426: {  	(tag) =	ssettag $0x2  }
0x427: {  	s0 =	rddreg [dreg:$0x0];
	s2 =	stileid.u32  }
0x428: {  	s1 =	rddreg [dreg:$0x1];
	p0 =	sne.s32 s2, $0x0  }
0x429: {  	s3 =	rddreg [dreg:$0x2];
	[bflag:$0x3] =	sbarrier.arrive $0xFFFF;
	s2 =	simm.s32 @!p0 $0x1C06  }
0x42a: {  	[timem:s3], [sflag:s2] =	dma.local @!p0 [hbm:s0], s1  }
0x42b: {  	s0 =	simm.s32 @!p0 $0x6  }
0x42c: {  	_ =	swait.ge @!p0 [sflag:s0], s1  }
0x42d: {  	s1 =	ssub.s32 @!p0 $0x0, s1;
	[sflag:s0] =	ssyncset.done @!p0 $0x0  }
0x42e: {  	[sflag:s0] =	ssyncadd.s32 @!p0 s1  }
0x42f: {  	[bflag:$0x3] =	sbarrier.arrive $0xFFFF  }
0x430: {  	_ =	shalt  }

</sc_bundles>
